<compile_context>
chip_gen: v7x
topology: tpu7x:2x2x1
jax: 0.10.2.dev20260603
libtpu: 0.0.44.dev20260713+nightly
codegen_flags: <defaults>
</compile_context>

<pallas_src>
import functools

import jax
import jax.numpy as jnp
from jax import lax
from jax.experimental import pallas as pl
from jax.experimental.pallas import tpu as pltpu
from jax.experimental.pallas import tpu_sc as plsc

_NC = 2
_NS = 16
_L = 16
_LANES = 128
_Q = 4


def _build_tc_extract(B, N, V):
    def tk(sid_ref, x_ref, col_ref):
        off = sid_ref[0] % _LANES
        x = x_ref[0]
        sel = (lax.broadcasted_iota(jnp.int32, (1, _LANES), 1)
               == off).astype(jnp.float32)
        col_ref[0] = lax.dot_general(
            sel, x, (((1,), (1,)), ((), ())),
            preferred_element_type=jnp.float32)

    return pl.pallas_call(
        tk,
        grid_spec=pltpu.PrefetchScalarGridSpec(
            num_scalar_prefetch=1,
            grid=(B,),
            in_specs=[pl.BlockSpec((1, N, _LANES),
                                   lambda i, sid: (i, 0, sid[0] // _LANES))],
            out_specs=pl.BlockSpec((1, 1, N), lambda i, sid: (i, 0, 0)),
        ),
        out_shape=jax.ShapeDtypeStruct((B, 1, N), jnp.float32),
    )


def _build_sc_compact(B, N):
    mesh = plsc.VectorSubcoreMesh(
        core_axis_name="c", subcore_axis_name="s",
        num_cores=_NC, num_subcores=_NS,
    )
    rows_per_q = N // _Q
    q_chunks = rows_per_q // _L
    n_scat = rows_per_q // _LANES
    trash0 = _NS * rows_per_q
    sh_len = trash0 + _L

    @functools.partial(
        pl.kernel,
        out_type=jax.ShapeDtypeStruct((B, N), jnp.int32),
        mesh=mesh,
        compiler_params=pltpu.CompilerParams(needs_layout_passes=False),
        scratch_types=(
            pltpu.VMEM((rows_per_q,), jnp.float32),
            pltpu.VMEM((rows_per_q,), jnp.int32),
            pltpu.VMEM((n_scat, _LANES), jnp.int32),
            pltpu.VMEM((rows_per_q,), jnp.int32),
            pltpu.VMEM((_L,), jnp.int32),
            pltpu.VMEM_SHARED((_NS, _L), jnp.int32),
            pltpu.VMEM_SHARED((sh_len,), jnp.int32),
            pltpu.SemaphoreType.DMA,
        ),
    )
    def fk(col_ref, idx_ref, cvals_v, rvals_v, pvals_v, zq_v, cnt_v,
           cnt_sh, idx_sh, sem):
        c = lax.axis_index("c")
        s = lax.axis_index("s")
        b = c * (B // _NC) + s // _Q
        q = s % _Q

        lane = lax.iota(jnp.int32, _L)
        last = jnp.full((_L,), _L - 1, dtype=jnp.int32)
        row0 = pl.multiple_of(q * rows_per_q, rows_per_q)
        reg0 = pl.multiple_of(s * rows_per_q, rows_per_q)

        col_cp = pltpu.async_copy(
            col_ref.at[b, 0, pl.ds(row0, rows_per_q)], cvals_v, sem)

        def zfill(k, _):
            zq_v[pl.ds(k * _L, _L)] = jnp.zeros((_L,), jnp.int32)
            return 0

        lax.fori_loop(0, q_chunks, zfill, 0)
        pltpu.sync_copy(zq_v, idx_sh.at[pl.ds(reg0, rows_per_q)])

        col_cp.wait()

        br0v = jnp.full((_L,), (s - q) * rows_per_q, dtype=jnp.int32)
        trashv = jnp.full((_L,), trash0, dtype=jnp.int32) + lane
        ones = jnp.ones((_L,), jnp.int32)
        zeros = jnp.zeros((_L,), jnp.int32)
        carryv = zeros
        for cch in range(n_scat):
            def scan(j2, cv):
                j = cch * (_LANES // _L) + j2
                rows = j * _L + lane
                vals = cvals_v[pl.ds(j * _L, _L)]
                rvals_v[pl.ds(j * _L, _L)] = row0 + rows
                mi = jnp.where(vals != 0.0, ones, zeros)
                cs = plsc.cumsum(mi)
                pos = (cv + cs) - mi
                pvals_v[cch, pl.ds(j2 * _L, _L)] = jnp.where(
                    vals != 0.0, br0v + pos, trashv)
                cs_last = lax.gather(
                    cs, last[:, None],
                    dimension_numbers=lax.GatherDimensionNumbers(
                        offset_dims=(), collapsed_slice_dims=(0,),
                        start_index_map=(0,)),
                    slice_sizes=(1,),
                    mode=lax.GatherScatterMode.PROMISE_IN_BOUNDS)
                return cv + cs_last

            carryv = lax.fori_loop(0, _LANES // _L, scan, carryv)

        cnt_v[...] = carryv
        pltpu.sync_copy(cnt_v, cnt_sh.at[s])

        plsc.subcore_barrier()

        qv = jnp.full((_L,), q, dtype=jnp.int32)
        basev = zeros
        for i in range(_Q - 1):
            pltpu.sync_copy(cnt_sh.at[s - q + i], cnt_v)
            iv = jnp.full((_L,), i, dtype=jnp.int32)
            basev = basev + jnp.where(iv < qv, cnt_v[...], zeros)

        tthr = jnp.full((_L,), trash0, dtype=jnp.int32)
        for cch in range(n_scat):
            def rebase(j2, _):
                p = pvals_v[cch, pl.ds(j2 * _L, _L)]
                pvals_v[cch, pl.ds(j2 * _L, _L)] = p + jnp.where(
                    p < tthr, basev, zeros)
                return 0

            lax.fori_loop(0, _LANES // _L, rebase, 0)
            pltpu.sync_copy(rvals_v.at[pl.ds(cch * _LANES, _LANES)],
                            idx_sh.at[pvals_v.at[cch]])

        plsc.subcore_barrier()

        breg = pl.multiple_of((s - q) * rows_per_q + q * rows_per_q, rows_per_q)
        pltpu.sync_copy(idx_sh.at[pl.ds(breg, rows_per_q)],
                        idx_ref.at[b, pl.ds(row0, rows_per_q)])

    return fk


def kernel(one_hot, id):
    B, N, V = one_hot.shape
    sid_arr = jnp.asarray(id, dtype=jnp.int32).reshape(1)
    col = _build_tc_extract(B, N, V)(sid_arr, one_hot)
    idx = _build_sc_compact(B, N)(col)
    return col.reshape(B, N, 1, 1), idx

# --- scband reference (transcript-rebuilt; emitter-appended) ---
"""Pipeline reference for scband-filter-model-25237227831811 (READ-ONLY COPY).

The authoritative reference and input builder live on the scoring server;
editing this copy changes nothing except your own understanding.
"""

import jax, jax.numpy as jnp
import numpy as np


def setup_inputs(seed: int = 0) -> dict:
    key = jax.random.key(seed)
    # fill=rand -> strictly positive values a.s., so every row is 'nonzero' at column id,
    # which keeps per-batch indices the same length (required by torch.stack in the original).
    one_hot = jax.random.uniform(key, (8, 2048, 4096), dtype=jnp.float32)
    return {"one_hot": one_hot, "id": 1337}


def reference(one_hot, id):
    # table_cp = one_batch.clone().detach(); table_cp[:, id] = 0  (vectorized over batch)
    table_cp = jax.lax.stop_gradient(one_hot).at[:, :, id].set(0.0)
    # table_diff = one_hot - table_cp ; selected_block = sum(dim=1/col-dim, keepdim)
    table_diff = one_hot - table_cp
    selected_block = jnp.sum(table_diff, axis=2, keepdims=True)  # [B, N, 1]
    # torch.stack(block_id).unsqueeze(-1) -> [B, N, 1, 1]
    selected_block = selected_block[..., None]
    # rows = one_batch[:, id].nonzero().reshape(-1), per batch, then stacked.
    # All entries are > 0 (uniform fill), so each batch yields exactly N indices.
    B, N, V = one_hot.shape
    idx_list = [jnp.nonzero(one_hot[b, :, id], size=N, fill_value=0)[0] for b in range(B)]
    indices = jnp.stack(idx_list)  # [B, N] int
    return (selected_block, indices)

if __name__ == "__main__":
    import jax
    _d = setup_inputs()
    print(jax.jit(kernel)(*tuple(_d.values())))

</pallas_src>

<mosaic_0001>
#map = affine_map<(d0, d1) -> (0, 0, 0)>
#map1 = affine_map<(d0, d1) -> (0, 0)>
module attributes {stable_mosaic.version = 14 : i64} {
  func.func @fk(%arg0: i32, %arg1: i32, %arg2: memref<8x1x2048xf32, #tpu.memory_space<hbm>>, %arg3: memref<8x2048xi32, #tpu.memory_space<hbm>>, %arg4: memref<512xf32, #tpu.memory_space<vmem>>, %arg5: memref<512xi32, #tpu.memory_space<vmem>>, %arg6: memref<4x128xi32, #tpu.memory_space<vmem>>, %arg7: memref<512xi32, #tpu.memory_space<vmem>>, %arg8: memref<16xi32, #tpu.memory_space<vmem>>, %arg9: memref<16x16xi32, #tpu.memory_space<vmem_shared>>, %arg10: memref<8208xi32, #tpu.memory_space<vmem_shared>>, %arg11: memref<!tpu.dma_semaphore, #tpu.memory_space<semaphore_mem>>) attributes {dimension_semantics = [#tpu.dimension_semantics<core_parallel>, #tpu.dimension_semantics<subcore_parallel>], iteration_bounds = array<i64: 2, 16>, scalar_prefetch = 0 : i64, scratch_operands = 8 : i64, tpu.core_type = #tpu.core_type<sc_vector_subcore>, window_params = [{transform_indices = #map}, {transform_indices = #map1}]} {
    %mul3A = arith.constant 4 : i32
    %mul3A_0 = arith.muli %arg0, %mul3A : i32
    %jit3A = arith.constant 4 : i32
    %div3A = arith.divsi %arg1, %jit3A : i32
    %sign3A = arith.constant 0 : i32
    %sign3A_1 = arith.cmpi sgt, %arg1, %sign3A : i32
    %sign3A_2 = arith.extui %sign3A_1 : i1 to i32
    %sign3A_3 = arith.constant 0 : i32
    %sign3A_4 = arith.cmpi slt, %arg1, %sign3A_3 : i32
    %sign3A_5 = arith.extui %sign3A_4 : i1 to i32
    %sign3A_6 = arith.subi %sign3A_2, %sign3A_5 : i32
    %sign3A_7 = arith.constant 0 : i32
    %sign3A_8 = arith.cmpi sgt, %jit3A, %sign3A_7 : i32
    %sign3A_9 = arith.extui %sign3A_8 : i1 to i32
    %sign3A_10 = arith.constant 0 : i32
    %sign3A_11 = arith.cmpi slt, %jit3A, %sign3A_10 : i32
    %sign3A_12 = arith.extui %sign3A_11 : i1 to i32
    %sign3A_13 = arith.subi %sign3A_9, %sign3A_12 : i32
    %ne3A = arith.cmpi ne, %sign3A_6, %sign3A_13 : i32
    %rem3A = arith.remsi %arg1, %jit3A : i32
    %ne3A_14 = arith.constant 0 : i32
    %ne3A_15 = arith.cmpi ne, %rem3A, %ne3A_14 : i32
    %and3A = arith.andi %ne3A, %ne3A_15 : i1
    %sub3A = arith.constant 1 : i32
    %sub3A_16 = arith.subi %div3A, %sub3A : i32
    %select_n3A = arith.select %and3A, %sub3A_16, %div3A : i32
    %add3A = arith.addi %mul3A_0, %select_n3A : i32
    %jit3A_17 = arith.constant 4 : i32
    %eq3A = arith.constant 0 : i32
    %eq3A_18 = arith.cmpi eq, %jit3A_17, %eq3A : i32
    %jit3A_19 = arith.constant 1 : i32
    %select_n3A_20 = arith.select %eq3A_18, %jit3A_19, %jit3A_17 : i32
    %rem3A_21 = arith.remsi %arg1, %select_n3A_20 : i32
    %ne3A_22 = arith.constant 0 : i32
    %ne3A_23 = arith.cmpi ne, %rem3A_21, %ne3A_22 : i32
    %lt3A = arith.constant 0 : i32
    %lt3A_24 = arith.cmpi slt, %rem3A_21, %lt3A : i32
    %lt3A_25 = arith.constant 0 : i32
    %lt3A_26 = arith.cmpi slt, %select_n3A_20, %lt3A_25 : i32
    %ne3A_27 = arith.xori %lt3A_24, %lt3A_26 : i1
    %and3A_28 = arith.andi %ne3A_27, %ne3A_23 : i1
    %add3A_29 = arith.addi %rem3A_21, %select_n3A_20 : i32
    %select_n3A_30 = arith.select %and3A_28, %add3A_29, %rem3A_21 : i32
    %iota3A = tpu.iota {dimensions = array<i32: 0>} : vector<16xi32>
    %broadcast_in_dim3A = arith.constant 15 : i32
    %broadcast_in_dim3A_31 = vector.broadcast %broadcast_in_dim3A : i32 to vector<16xi32>
    %mul3A_32 = arith.constant 512 : i32
    %mul3A_33 = arith.muli %select_n3A_30, %mul3A_32 : i32
    %multiple_of3A = tpu.assume_multiple %mul3A_33, 512 : i32
    %mul3A_34 = arith.constant 512 : i32
    %mul3A_35 = arith.muli %arg1, %mul3A_34 : i32
    %multiple_of3A_36 = tpu.assume_multiple %mul3A_35, 512 : i32
    %dma_start3A = arith.constant 0 : i32
    %dma_start3A_37 = tpu.memref_slice %arg2[%add3A, %dma_start3A, %multiple_of3A] : memref<8x1x2048xf32, #tpu.memory_space<hbm>> -> memref<1x1x512xf32, #tpu.memory_space<hbm>>
    %dma_start3A_38 = tpu.memref_squeeze %dma_start3A_37 : memref<1x1x512xf32, #tpu.memory_space<hbm>> -> memref<512xf32, #tpu.memory_space<hbm>>
    %dma_start3A_39 = tpu.memref_slice %arg2[%add3A, %dma_start3A, %multiple_of3A] : memref<8x1x2048xf32, #tpu.memory_space<hbm>> -> memref<1x1x512xf32, #tpu.memory_space<hbm>>
    %dma_start3A_40 = tpu.memref_squeeze %dma_start3A_39 : memref<1x1x512xf32, #tpu.memory_space<hbm>> -> memref<512xf32, #tpu.memory_space<hbm>>
    tpu.enqueue_dma source(%dma_start3A_40 : memref<512xf32, #tpu.memory_space<hbm>>) target(%arg4 : memref<512xf32, #tpu.memory_space<vmem>>) target_semaphore(%arg11 : memref<!tpu.dma_semaphore, #tpu.memory_space<semaphore_mem>>)
    %scan3A = arith.constant 0 : i32
    %scan3A_41 = arith.constant 0 : i32
    %scan3A_42 = arith.constant 32 : i32
    %scan3A_43 = arith.addi %scan3A_41, %scan3A_42 : i32
    %scan3A_44 = arith.constant 1 : i32
    %scan3A_45 = scf.for %scan3A_158 = %scan3A_41 to %scan3A_43 step %scan3A_44 iter_args(%scan3A_159 = %scan3A) -> (i32)  : i32 {
      %broadcast_in_dim3A_160 = arith.constant 0 : i32
      %broadcast_in_dim3A_161 = vector.broadcast %broadcast_in_dim3A_160 : i32 to vector<16xi32>
      %mul3A_162 = arith.constant 16 : i32
      %mul3A_163 = arith.muli %scan3A_158, %mul3A_162 : i32
      %swap3A_164 = arith.index_cast %mul3A_163 : i32 to index
      %swap3A_165 = tpu.vector_load %arg7[%swap3A_164] {strides = array<i32>} : memref<512xi32, #tpu.memory_space<vmem>>, vector<16xi32>,
      tpu.vector_store %arg7[%swap3A_164], %broadcast_in_dim3A_161 {strides = array<i32>} : memref<512xi32, #tpu.memory_space<vmem>>, vector<16xi32>,
      %scan3A_166 = arith.constant 0 : i32
      scf.yield %scan3A_166 : i32
    }
    %scan3A_46 = arith.constant 32 : i32
    "tpu.region"() ({
      %run_scoped3A_158 = tpu.sem_alloc : memref<!tpu.dma_semaphore, #tpu.memory_space<semaphore_mem>>
      %dma_start3A_159 = tpu.memref_slice %arg10[%multiple_of3A_36] : memref<8208xi32, #tpu.memory_space<vmem_shared>> -> memref<512xi32, #tpu.memory_space<vmem_shared>>
      %dma_start3A_160 = tpu.memref_slice %arg10[%multiple_of3A_36] : memref<8208xi32, #tpu.memory_space<vmem_shared>> -> memref<512xi32, #tpu.memory_space<vmem_shared>>
      tpu.enqueue_dma source(%arg7 : memref<512xi32, #tpu.memory_space<vmem>>) target(%dma_start3A_160 : memref<512xi32, #tpu.memory_space<vmem_shared>>) target_semaphore(%run_scoped3A_158 : memref<!tpu.dma_semaphore, #tpu.memory_space<semaphore_mem>>)
      %dma_wait3A_161 = tpu.memref_slice %arg10[%multiple_of3A_36] : memref<8208xi32, #tpu.memory_space<vmem_shared>> -> memref<512xi32, #tpu.memory_space<vmem_shared>>
      %dma_wait3A_162 = tpu.memref_slice %arg10[%multiple_of3A_36] : memref<8208xi32, #tpu.memory_space<vmem_shared>> -> memref<512xi32, #tpu.memory_space<vmem_shared>>
      tpu.wait_dma2 semaphore(%run_scoped3A_158 : memref<!tpu.dma_semaphore, #tpu.memory_space<semaphore_mem>>) src(%arg7 : memref<512xi32, #tpu.memory_space<vmem>>) dst(%dma_wait3A_162 : memref<512xi32, #tpu.memory_space<vmem_shared>>)
      tpu.yield
    }) : () -> ()
    %dma_wait3A = arith.constant 0 : i32
    %dma_wait3A_47 = tpu.memref_slice %arg2[%add3A, %dma_wait3A, %multiple_of3A] : memref<8x1x2048xf32, #tpu.memory_space<hbm>> -> memref<1x1x512xf32, #tpu.memory_space<hbm>>
    %dma_wait3A_48 = tpu.memref_squeeze %dma_wait3A_47 : memref<1x1x512xf32, #tpu.memory_space<hbm>> -> memref<512xf32, #tpu.memory_space<hbm>>
    %dma_wait3A_49 = tpu.memref_slice %arg2[%add3A, %dma_wait3A, %multiple_of3A] : memref<8x1x2048xf32, #tpu.memory_space<hbm>> -> memref<1x1x512xf32, #tpu.memory_space<hbm>>
    %dma_wait3A_50 = tpu.memref_squeeze %dma_wait3A_49 : memref<1x1x512xf32, #tpu.memory_space<hbm>> -> memref<512xf32, #tpu.memory_space<hbm>>
    tpu.wait_dma2 semaphore(%arg11 : memref<!tpu.dma_semaphore, #tpu.memory_space<semaphore_mem>>) src(%dma_wait3A_50 : memref<512xf32, #tpu.memory_space<hbm>>) dst(%arg4 : memref<512xf32, #tpu.memory_space<vmem>>)
    %sub3A_51 = arith.subi %arg1, %select_n3A_30 : i32
    %mul3A_52 = arith.constant 512 : i32
    %mul3A_53 = arith.muli %sub3A_51, %mul3A_52 : i32
    %broadcast_in_dim3A_54 = vector.broadcast %mul3A_53 : i32 to vector<16xi32>
    %broadcast_in_dim3A_55 = arith.constant 8192 : i32
    %broadcast_in_dim3A_56 = vector.broadcast %broadcast_in_dim3A_55 : i32 to vector<16xi32>
    %add3A_57 = arith.addi %broadcast_in_dim3A_56, %iota3A : vector<16xi32>
    %broadcast_in_dim3A_58 = arith.constant 1 : i32
    %broadcast_in_dim3A_59 = vector.broadcast %broadcast_in_dim3A_58 : i32 to vector<16xi32>
    %broadcast_in_dim3A_60 = arith.constant 0 : i32
    %broadcast_in_dim3A_61 = vector.broadcast %broadcast_in_dim3A_60 : i32 to vector<16xi32>
    %scan3A_62 = arith.constant 0 : i32
    %scan3A_63 = arith.constant 8 : i32
    %scan3A_64 = arith.addi %scan3A_62, %scan3A_63 : i32
    %scan3A_65 = arith.constant 1 : i32
    %scan3A_66 = scf.for %scan3A_158 = %scan3A_62 to %scan3A_64 step %scan3A_65 iter_args(%scan3A_159 = %broadcast_in_dim3A_61) -> (vector<16xi32>)  : i32 {
      %add3A_160 = arith.constant 0 : i32
      %add3A_161 = arith.addi %add3A_160, %scan3A_158 : i32
      %mul3A_162 = arith.constant 16 : i32
      %mul3A_163 = arith.muli %add3A_161, %mul3A_162 : i32
      %add3A_164 = vector.broadcast %mul3A_163 : i32 to vector<16xi32>
      %add3A_165 = arith.addi %add3A_164, %iota3A : vector<16xi32>
      %mul3A_166 = arith.constant 16 : i32
      %mul3A_167 = arith.muli %add3A_161, %mul3A_166 : i32
      %get3A_168 = arith.index_cast %mul3A_167 : i32 to index
      %get3A_169 = tpu.vector_load %arg4[%get3A_168] {strides = array<i32>} : memref<512xf32, #tpu.memory_space<vmem>>, vector<16xf32>,
      %add3A_170 = vector.broadcast %multiple_of3A : i32 to vector<16xi32>
      %add3A_171 = arith.addi %add3A_170, %add3A_165 : vector<16xi32>
      %mul3A_172 = arith.constant 16 : i32
      %mul3A_173 = arith.muli %add3A_161, %mul3A_172 : i32
      %swap3A_174 = arith.index_cast %mul3A_173 : i32 to index
      %swap3A_175 = tpu.vector_load %arg5[%swap3A_174] {strides = array<i32>} : memref<512xi32, #tpu.memory_space<vmem>>, vector<16xi32>,
      tpu.vector_store %arg5[%swap3A_174], %add3A_171 {strides = array<i32>} : memref<512xi32, #tpu.memory_space<vmem>>, vector<16xi32>,
      %ne3A_176 = arith.constant 0.000000e+00 : f32
      %ne3A_177 = vector.broadcast %ne3A_176 : f32 to vector<16xf32>
      %ne3A_178 = arith.cmpf one, %get3A_169, %ne3A_177 : vector<16xf32>
      %select_n3A_179 = arith.select %ne3A_178, %broadcast_in_dim3A_59, %broadcast_in_dim3A_61 : vector<16xi1>, vector<16xi32>
      %broadcast_in_dim3A_180 = arith.constant true
      %broadcast_in_dim3A_181 = vector.broadcast %broadcast_in_dim3A_180 : i1 to vector<16xi1>
      %masked_cumsum3A = tpu.scan <sum>, %select_n3A_179 masked %broadcast_in_dim3A_181 : vector<16xi32>, vector<16xi1> -> vector<16xi32>
      %add3A_182 = arith.addi %scan3A_159, %masked_cumsum3A : vector<16xi32>
      %sub3A_183 = arith.subi %add3A_182, %select_n3A_179 : vector<16xi32>
      %ne3A_184 = arith.constant 0.000000e+00 : f32
      %ne3A_185 = vector.broadcast %ne3A_184 : f32 to vector<16xf32>
      %ne3A_186 = arith.cmpf one, %get3A_169, %ne3A_185 : vector<16xf32>
      %add3A_187 = arith.addi %broadcast_in_dim3A_54, %sub3A_183 : vector<16xi32>
      %select_n3A_188 = arith.select %ne3A_186, %add3A_187, %add3A_57 : vector<16xi1>, vector<16xi32>
      %mul3A_189 = arith.constant 16 : i32
      %mul3A_190 = arith.muli %scan3A_158, %mul3A_189 : i32
      %swap3A_191 = arith.constant 0 : i32
      %swap3A_192 = arith.index_cast %swap3A_191 : i32 to index
      %swap3A_193 = arith.index_cast %mul3A_190 : i32 to index
      %swap3A_194 = tpu.vector_load %arg6[%swap3A_192, %swap3A_193] {strides = array<i32>} : memref<4x128xi32, #tpu.memory_space<vmem>>, vector<16xi32>,
      tpu.vector_store %arg6[%swap3A_192, %swap3A_193], %select_n3A_188 {strides = array<i32>} : memref<4x128xi32, #tpu.memory_space<vmem>>, vector<16xi32>,
      %broadcast_in_dim3A_195 = vector.shape_cast %broadcast_in_dim3A_31 : vector<16xi32> to vector<16x1xi32>
      %gather3A = vector.shape_cast %broadcast_in_dim3A_195 : vector<16x1xi32> to vector<16xi32>
      %gather3A_196 = tpu.dynamic_gather %masked_cumsum3A[%gather3A] in [0] : vector<16xi32>, vector<16xi32> -> vector<16xi32>
      %add3A_197 = arith.addi %scan3A_159, %gather3A_196 : vector<16xi32>
      scf.yield %add3A_197 : vector<16xi32>
    }
    %scan3A_67 = arith.constant 8 : i32
    %scan3A_68 = arith.constant 0 : i32
    %scan3A_69 = arith.constant 8 : i32
    %scan3A_70 = arith.addi %scan3A_68, %scan3A_69 : i32
    %scan3A_71 = arith.constant 1 : i32
    %scan3A_72 = scf.for %scan3A_158 = %scan3A_68 to %scan3A_70 step %scan3A_71 iter_args(%scan3A_159 = %scan3A_66) -> (vector<16xi32>)  : i32 {
      %add3A_160 = arith.constant 8 : i32
      %add3A_161 = arith.addi %add3A_160, %scan3A_158 : i32
      %mul3A_162 = arith.constant 16 : i32
      %mul3A_163 = arith.muli %add3A_161, %mul3A_162 : i32
      %add3A_164 = vector.broadcast %mul3A_163 : i32 to vector<16xi32>
      %add3A_165 = arith.addi %add3A_164, %iota3A : vector<16xi32>
      %mul3A_166 = arith.constant 16 : i32
      %mul3A_167 = arith.muli %add3A_161, %mul3A_166 : i32
      %get3A_168 = arith.index_cast %mul3A_167 : i32 to index
      %get3A_169 = tpu.vector_load %arg4[%get3A_168] {strides = array<i32>} : memref<512xf32, #tpu.memory_space<vmem>>, vector<16xf32>,
      %add3A_170 = vector.broadcast %multiple_of3A : i32 to vector<16xi32>
      %add3A_171 = arith.addi %add3A_170, %add3A_165 : vector<16xi32>
      %mul3A_172 = arith.constant 16 : i32
      %mul3A_173 = arith.muli %add3A_161, %mul3A_172 : i32
      %swap3A_174 = arith.index_cast %mul3A_173 : i32 to index
      %swap3A_175 = tpu.vector_load %arg5[%swap3A_174] {strides = array<i32>} : memref<512xi32, #tpu.memory_space<vmem>>, vector<16xi32>,
      tpu.vector_store %arg5[%swap3A_174], %add3A_171 {strides = array<i32>} : memref<512xi32, #tpu.memory_space<vmem>>, vector<16xi32>,
      %ne3A_176 = arith.constant 0.000000e+00 : f32
      %ne3A_177 = vector.broadcast %ne3A_176 : f32 to vector<16xf32>
      %ne3A_178 = arith.cmpf one, %get3A_169, %ne3A_177 : vector<16xf32>
      %select_n3A_179 = arith.select %ne3A_178, %broadcast_in_dim3A_59, %broadcast_in_dim3A_61 : vector<16xi1>, vector<16xi32>
      %broadcast_in_dim3A_180 = arith.constant true
      %broadcast_in_dim3A_181 = vector.broadcast %broadcast_in_dim3A_180 : i1 to vector<16xi1>
      %masked_cumsum3A = tpu.scan <sum>, %select_n3A_179 masked %broadcast_in_dim3A_181 : vector<16xi32>, vector<16xi1> -> vector<16xi32>
      %add3A_182 = arith.addi %scan3A_159, %masked_cumsum3A : vector<16xi32>
      %sub3A_183 = arith.subi %add3A_182, %select_n3A_179 : vector<16xi32>
      %ne3A_184 = arith.constant 0.000000e+00 : f32
      %ne3A_185 = vector.broadcast %ne3A_184 : f32 to vector<16xf32>
      %ne3A_186 = arith.cmpf one, %get3A_169, %ne3A_185 : vector<16xf32>
      %add3A_187 = arith.addi %broadcast_in_dim3A_54, %sub3A_183 : vector<16xi32>
      %select_n3A_188 = arith.select %ne3A_186, %add3A_187, %add3A_57 : vector<16xi1>, vector<16xi32>
      %mul3A_189 = arith.constant 16 : i32
      %mul3A_190 = arith.muli %scan3A_158, %mul3A_189 : i32
      %swap3A_191 = arith.constant 1 : i32
      %swap3A_192 = arith.index_cast %swap3A_191 : i32 to index
      %swap3A_193 = arith.index_cast %mul3A_190 : i32 to index
      %swap3A_194 = tpu.vector_load %arg6[%swap3A_192, %swap3A_193] {strides = array<i32>} : memref<4x128xi32, #tpu.memory_space<vmem>>, vector<16xi32>,
      tpu.vector_store %arg6[%swap3A_192, %swap3A_193], %select_n3A_188 {strides = array<i32>} : memref<4x128xi32, #tpu.memory_space<vmem>>, vector<16xi32>,
      %broadcast_in_dim3A_195 = vector.shape_cast %broadcast_in_dim3A_31 : vector<16xi32> to vector<16x1xi32>
      %gather3A = vector.shape_cast %broadcast_in_dim3A_195 : vector<16x1xi32> to vector<16xi32>
      %gather3A_196 = tpu.dynamic_gather %masked_cumsum3A[%gather3A] in [0] : vector<16xi32>, vector<16xi32> -> vector<16xi32>
      %add3A_197 = arith.addi %scan3A_159, %gather3A_196 : vector<16xi32>
      scf.yield %add3A_197 : vector<16xi32>
    }
    %scan3A_73 = arith.constant 8 : i32
    %scan3A_74 = arith.constant 0 : i32
    %scan3A_75 = arith.constant 8 : i32
    %scan3A_76 = arith.addi %scan3A_74, %scan3A_75 : i32
    %scan3A_77 = arith.constant 1 : i32
    %scan3A_78 = scf.for %scan3A_158 = %scan3A_74 to %scan3A_76 step %scan3A_77 iter_args(%scan3A_159 = %scan3A_72) -> (vector<16xi32>)  : i32 {
      %add3A_160 = arith.constant 16 : i32
      %add3A_161 = arith.addi %add3A_160, %scan3A_158 : i32
      %mul3A_162 = arith.constant 16 : i32
      %mul3A_163 = arith.muli %add3A_161, %mul3A_162 : i32
      %add3A_164 = vector.broadcast %mul3A_163 : i32 to vector<16xi32>
      %add3A_165 = arith.addi %add3A_164, %iota3A : vector<16xi32>
      %mul3A_166 = arith.constant 16 : i32
      %mul3A_167 = arith.muli %add3A_161, %mul3A_166 : i32
      %get3A_168 = arith.index_cast %mul3A_167 : i32 to index
      %get3A_169 = tpu.vector_load %arg4[%get3A_168] {strides = array<i32>} : memref<512xf32, #tpu.memory_space<vmem>>, vector<16xf32>,
      %add3A_170 = vector.broadcast %multiple_of3A : i32 to vector<16xi32>
      %add3A_171 = arith.addi %add3A_170, %add3A_165 : vector<16xi32>
      %mul3A_172 = arith.constant 16 : i32
      %mul3A_173 = arith.muli %add3A_161, %mul3A_172 : i32
      %swap3A_174 = arith.index_cast %mul3A_173 : i32 to index
      %swap3A_175 = tpu.vector_load %arg5[%swap3A_174] {strides = array<i32>} : memref<512xi32, #tpu.memory_space<vmem>>, vector<16xi32>,
      tpu.vector_store %arg5[%swap3A_174], %add3A_171 {strides = array<i32>} : memref<512xi32, #tpu.memory_space<vmem>>, vector<16xi32>,
      %ne3A_176 = arith.constant 0.000000e+00 : f32
      %ne3A_177 = vector.broadcast %ne3A_176 : f32 to vector<16xf32>
      %ne3A_178 = arith.cmpf one, %get3A_169, %ne3A_177 : vector<16xf32>
      %select_n3A_179 = arith.select %ne3A_178, %broadcast_in_dim3A_59, %broadcast_in_dim3A_61 : vector<16xi1>, vector<16xi32>
      %broadcast_in_dim3A_180 = arith.constant true
      %broadcast_in_dim3A_181 = vector.broadcast %broadcast_in_dim3A_180 : i1 to vector<16xi1>
      %masked_cumsum3A = tpu.scan <sum>, %select_n3A_179 masked %broadcast_in_dim3A_181 : vector<16xi32>, vector<16xi1> -> vector<16xi32>
      %add3A_182 = arith.addi %scan3A_159, %masked_cumsum3A : vector<16xi32>
      %sub3A_183 = arith.subi %add3A_182, %select_n3A_179 : vector<16xi32>
      %ne3A_184 = arith.constant 0.000000e+00 : f32
      %ne3A_185 = vector.broadcast %ne3A_184 : f32 to vector<16xf32>
      %ne3A_186 = arith.cmpf one, %get3A_169, %ne3A_185 : vector<16xf32>
      %add3A_187 = arith.addi %broadcast_in_dim3A_54, %sub3A_183 : vector<16xi32>
      %select_n3A_188 = arith.select %ne3A_186, %add3A_187, %add3A_57 : vector<16xi1>, vector<16xi32>
      %mul3A_189 = arith.constant 16 : i32
      %mul3A_190 = arith.muli %scan3A_158, %mul3A_189 : i32
      %swap3A_191 = arith.constant 2 : i32
      %swap3A_192 = arith.index_cast %swap3A_191 : i32 to index
      %swap3A_193 = arith.index_cast %mul3A_190 : i32 to index
      %swap3A_194 = tpu.vector_load %arg6[%swap3A_192, %swap3A_193] {strides = array<i32>} : memref<4x128xi32, #tpu.memory_space<vmem>>, vector<16xi32>,
      tpu.vector_store %arg6[%swap3A_192, %swap3A_193], %select_n3A_188 {strides = array<i32>} : memref<4x128xi32, #tpu.memory_space<vmem>>, vector<16xi32>,
      %broadcast_in_dim3A_195 = vector.shape_cast %broadcast_in_dim3A_31 : vector<16xi32> to vector<16x1xi32>
      %gather3A = vector.shape_cast %broadcast_in_dim3A_195 : vector<16x1xi32> to vector<16xi32>
      %gather3A_196 = tpu.dynamic_gather %masked_cumsum3A[%gather3A] in [0] : vector<16xi32>, vector<16xi32> -> vector<16xi32>
      %add3A_197 = arith.addi %scan3A_159, %gather3A_196 : vector<16xi32>
      scf.yield %add3A_197 : vector<16xi32>
    }
    %scan3A_79 = arith.constant 8 : i32
    %scan3A_80 = arith.constant 0 : i32
    %scan3A_81 = arith.constant 8 : i32
    %scan3A_82 = arith.addi %scan3A_80, %scan3A_81 : i32
    %scan3A_83 = arith.constant 1 : i32
    %scan3A_84 = scf.for %scan3A_158 = %scan3A_80 to %scan3A_82 step %scan3A_83 iter_args(%scan3A_159 = %scan3A_78) -> (vector<16xi32>)  : i32 {
      %add3A_160 = arith.constant 24 : i32
      %add3A_161 = arith.addi %add3A_160, %scan3A_158 : i32
      %mul3A_162 = arith.constant 16 : i32
      %mul3A_163 = arith.muli %add3A_161, %mul3A_162 : i32
      %add3A_164 = vector.broadcast %mul3A_163 : i32 to vector<16xi32>
      %add3A_165 = arith.addi %add3A_164, %iota3A : vector<16xi32>
      %mul3A_166 = arith.constant 16 : i32
      %mul3A_167 = arith.muli %add3A_161, %mul3A_166 : i32
      %get3A_168 = arith.index_cast %mul3A_167 : i32 to index
      %get3A_169 = tpu.vector_load %arg4[%get3A_168] {strides = array<i32>} : memref<512xf32, #tpu.memory_space<vmem>>, vector<16xf32>,
      %add3A_170 = vector.broadcast %multiple_of3A : i32 to vector<16xi32>
      %add3A_171 = arith.addi %add3A_170, %add3A_165 : vector<16xi32>
      %mul3A_172 = arith.constant 16 : i32
      %mul3A_173 = arith.muli %add3A_161, %mul3A_172 : i32
      %swap3A_174 = arith.index_cast %mul3A_173 : i32 to index
      %swap3A_175 = tpu.vector_load %arg5[%swap3A_174] {strides = array<i32>} : memref<512xi32, #tpu.memory_space<vmem>>, vector<16xi32>,
      tpu.vector_store %arg5[%swap3A_174], %add3A_171 {strides = array<i32>} : memref<512xi32, #tpu.memory_space<vmem>>, vector<16xi32>,
      %ne3A_176 = arith.constant 0.000000e+00 : f32
      %ne3A_177 = vector.broadcast %ne3A_176 : f32 to vector<16xf32>
      %ne3A_178 = arith.cmpf one, %get3A_169, %ne3A_177 : vector<16xf32>
      %select_n3A_179 = arith.select %ne3A_178, %broadcast_in_dim3A_59, %broadcast_in_dim3A_61 : vector<16xi1>, vector<16xi32>
      %broadcast_in_dim3A_180 = arith.constant true
      %broadcast_in_dim3A_181 = vector.broadcast %broadcast_in_dim3A_180 : i1 to vector<16xi1>
      %masked_cumsum3A = tpu.scan <sum>, %select_n3A_179 masked %broadcast_in_dim3A_181 : vector<16xi32>, vector<16xi1> -> vector<16xi32>
      %add3A_182 = arith.addi %scan3A_159, %masked_cumsum3A : vector<16xi32>
      %sub3A_183 = arith.subi %add3A_182, %select_n3A_179 : vector<16xi32>
      %ne3A_184 = arith.constant 0.000000e+00 : f32
      %ne3A_185 = vector.broadcast %ne3A_184 : f32 to vector<16xf32>
      %ne3A_186 = arith.cmpf one, %get3A_169, %ne3A_185 : vector<16xf32>
      %add3A_187 = arith.addi %broadcast_in_dim3A_54, %sub3A_183 : vector<16xi32>
      %select_n3A_188 = arith.select %ne3A_186, %add3A_187, %add3A_57 : vector<16xi1>, vector<16xi32>
      %mul3A_189 = arith.constant 16 : i32
      %mul3A_190 = arith.muli %scan3A_158, %mul3A_189 : i32
      %swap3A_191 = arith.constant 3 : i32
      %swap3A_192 = arith.index_cast %swap3A_191 : i32 to index
      %swap3A_193 = arith.index_cast %mul3A_190 : i32 to index
      %swap3A_194 = tpu.vector_load %arg6[%swap3A_192, %swap3A_193] {strides = array<i32>} : memref<4x128xi32, #tpu.memory_space<vmem>>, vector<16xi32>,
      tpu.vector_store %arg6[%swap3A_192, %swap3A_193], %select_n3A_188 {strides = array<i32>} : memref<4x128xi32, #tpu.memory_space<vmem>>, vector<16xi32>,
      %broadcast_in_dim3A_195 = vector.shape_cast %broadcast_in_dim3A_31 : vector<16xi32> to vector<16x1xi32>
      %gather3A = vector.shape_cast %broadcast_in_dim3A_195 : vector<16x1xi32> to vector<16xi32>
      %gather3A_196 = tpu.dynamic_gather %masked_cumsum3A[%gather3A] in [0] : vector<16xi32>, vector<16xi32> -> vector<16xi32>
      %add3A_197 = arith.addi %scan3A_159, %gather3A_196 : vector<16xi32>
      scf.yield %add3A_197 : vector<16xi32>
    }
    %scan3A_85 = arith.constant 8 : i32
    %swap3A = arith.constant 0 : index
    %swap3A_86 = tpu.vector_load %arg8[%swap3A] {strides = array<i32>} : memref<16xi32, #tpu.memory_space<vmem>>, vector<16xi32>,
    tpu.vector_store %arg8[%swap3A], %scan3A_84 {strides = array<i32>} : memref<16xi32, #tpu.memory_space<vmem>>, vector<16xi32>,
    "tpu.region"() ({
      %run_scoped3A_158 = tpu.sem_alloc : memref<!tpu.dma_semaphore, #tpu.memory_space<semaphore_mem>>
      %dma_start3A_159 = arith.constant 0 : i32
      %dma_start3A_160 = tpu.memref_slice %arg9[%arg1, %dma_start3A_159] : memref<16x16xi32, #tpu.memory_space<vmem_shared>> -> memref<1x16xi32, #tpu.memory_space<vmem_shared>>
      %dma_start3A_161 = tpu.memref_squeeze %dma_start3A_160 : memref<1x16xi32, #tpu.memory_space<vmem_shared>> -> memref<16xi32, #tpu.memory_space<vmem_shared>>
      %dma_start3A_162 = arith.constant 0 : i32
      %dma_start3A_163 = tpu.memref_slice %arg9[%arg1, %dma_start3A_162] : memref<16x16xi32, #tpu.memory_space<vmem_shared>> -> memref<1x16xi32, #tpu.memory_space<vmem_shared>>
      %dma_start3A_164 = tpu.memref_squeeze %dma_start3A_163 : memref<1x16xi32, #tpu.memory_space<vmem_shared>> -> memref<16xi32, #tpu.memory_space<vmem_shared>>
      tpu.enqueue_dma source(%arg8 : memref<16xi32, #tpu.memory_space<vmem>>) target(%dma_start3A_164 : memref<16xi32, #tpu.memory_space<vmem_shared>>) target_semaphore(%run_scoped3A_158 : memref<!tpu.dma_semaphore, #tpu.memory_space<semaphore_mem>>)
      %dma_wait3A_165 = arith.constant 0 : i32
      %dma_wait3A_166 = tpu.memref_slice %arg9[%arg1, %dma_wait3A_165] : memref<16x16xi32, #tpu.memory_space<vmem_shared>> -> memref<1x16xi32, #tpu.memory_space<vmem_shared>>
      %dma_wait3A_167 = tpu.memref_squeeze %dma_wait3A_166 : memref<1x16xi32, #tpu.memory_space<vmem_shared>> -> memref<16xi32, #tpu.memory_space<vmem_shared>>
      %dma_wait3A_168 = arith.constant 0 : i32
      %dma_wait3A_169 = tpu.memref_slice %arg9[%arg1, %dma_wait3A_168] : memref<16x16xi32, #tpu.memory_space<vmem_shared>> -> memref<1x16xi32, #tpu.memory_space<vmem_shared>>
      %dma_wait3A_170 = tpu.memref_squeeze %dma_wait3A_169 : memref<1x16xi32, #tpu.memory_space<vmem_shared>> -> memref<16xi32, #tpu.memory_space<vmem_shared>>
      tpu.wait_dma2 semaphore(%run_scoped3A_158 : memref<!tpu.dma_semaphore, #tpu.memory_space<semaphore_mem>>) src(%arg8 : memref<16xi32, #tpu.memory_space<vmem>>) dst(%dma_wait3A_170 : memref<16xi32, #tpu.memory_space<vmem_shared>>)
      tpu.yield
    }) : () -> ()
    %barrier3A = arith.constant 0 : index
    tpu.barrier barrier_id(%barrier3A)
    %broadcast_in_dim3A_87 = vector.broadcast %select_n3A_30 : i32 to vector<16xi32>
    %sub3A_88 = arith.subi %arg1, %select_n3A_30 : i32
    %add3A_89 = arith.constant 0 : i32
    %add3A_90 = arith.addi %sub3A_88, %add3A_89 : i32
    "tpu.region"() ({
      %run_scoped3A_158 = tpu.sem_alloc : memref<!tpu.dma_semaphore, #tpu.memory_space<semaphore_mem>>
      %dma_start3A_159 = arith.constant 0 : i32
      %dma_start3A_160 = tpu.memref_slice %arg9[%add3A_90, %dma_start3A_159] : memref<16x16xi32, #tpu.memory_space<vmem_shared>> -> memref<1x16xi32, #tpu.memory_space<vmem_shared>>
      %dma_start3A_161 = tpu.memref_squeeze %dma_start3A_160 : memref<1x16xi32, #tpu.memory_space<vmem_shared>> -> memref<16xi32, #tpu.memory_space<vmem_shared>>
      %dma_start3A_162 = arith.constant 0 : i32
      %dma_start3A_163 = tpu.memref_slice %arg9[%add3A_90, %dma_start3A_162] : memref<16x16xi32, #tpu.memory_space<vmem_shared>> -> memref<1x16xi32, #tpu.memory_space<vmem_shared>>
      %dma_start3A_164 = tpu.memref_squeeze %dma_start3A_163 : memref<1x16xi32, #tpu.memory_space<vmem_shared>> -> memref<16xi32, #tpu.memory_space<vmem_shared>>
      tpu.enqueue_dma source(%dma_start3A_164 : memref<16xi32, #tpu.memory_space<vmem_shared>>) target(%arg8 : memref<16xi32, #tpu.memory_space<vmem>>) target_semaphore(%run_scoped3A_158 : memref<!tpu.dma_semaphore, #tpu.memory_space<semaphore_mem>>)
      %dma_wait3A_165 = arith.constant 0 : i32
      %dma_wait3A_166 = tpu.memref_slice %arg9[%add3A_90, %dma_wait3A_165] : memref<16x16xi32, #tpu.memory_space<vmem_shared>> -> memref<1x16xi32, #tpu.memory_space<vmem_shared>>
      %dma_wait3A_167 = tpu.memref_squeeze %dma_wait3A_166 : memref<1x16xi32, #tpu.memory_space<vmem_shared>> -> memref<16xi32, #tpu.memory_space<vmem_shared>>
      %dma_wait3A_168 = arith.constant 0 : i32
      %dma_wait3A_169 = tpu.memref_slice %arg9[%add3A_90, %dma_wait3A_168] : memref<16x16xi32, #tpu.memory_space<vmem_shared>> -> memref<1x16xi32, #tpu.memory_space<vmem_shared>>
      %dma_wait3A_170 = tpu.memref_squeeze %dma_wait3A_169 : memref<1x16xi32, #tpu.memory_space<vmem_shared>> -> memref<16xi32, #tpu.memory_space<vmem_shared>>
      tpu.wait_dma2 semaphore(%run_scoped3A_158 : memref<!tpu.dma_semaphore, #tpu.memory_space<semaphore_mem>>) src(%dma_wait3A_170 : memref<16xi32, #tpu.memory_space<vmem_shared>>) dst(%arg8 : memref<16xi32, #tpu.memory_space<vmem>>)
      tpu.yield
    }) : () -> ()
    %broadcast_in_dim3A_91 = arith.constant 0 : i32
    %broadcast_in_dim3A_92 = vector.broadcast %broadcast_in_dim3A_91 : i32 to vector<16xi32>
    %lt3A_93 = arith.cmpi slt, %broadcast_in_dim3A_92, %broadcast_in_dim3A_87 : vector<16xi32>
    %get3A = arith.constant 0 : index
    %get3A_94 = tpu.vector_load %arg8[%get3A] {strides = array<i32>} : memref<16xi32, #tpu.memory_space<vmem>>, vector<16xi32>,
    %select_n3A_95 = arith.select %lt3A_93, %get3A_94, %broadcast_in_dim3A_61 : vector<16xi1>, vector<16xi32>
    %add3A_96 = arith.addi %broadcast_in_dim3A_61, %select_n3A_95 : vector<16xi32>
    %sub3A_97 = arith.subi %arg1, %select_n3A_30 : i32
    %add3A_98 = arith.constant 1 : i32
    %add3A_99 = arith.addi %sub3A_97, %add3A_98 : i32
    "tpu.region"() ({
      %run_scoped3A_158 = tpu.sem_alloc : memref<!tpu.dma_semaphore, #tpu.memory_space<semaphore_mem>>
      %dma_start3A_159 = arith.constant 0 : i32
      %dma_start3A_160 = tpu.memref_slice %arg9[%add3A_99, %dma_start3A_159] : memref<16x16xi32, #tpu.memory_space<vmem_shared>> -> memref<1x16xi32, #tpu.memory_space<vmem_shared>>
      %dma_start3A_161 = tpu.memref_squeeze %dma_start3A_160 : memref<1x16xi32, #tpu.memory_space<vmem_shared>> -> memref<16xi32, #tpu.memory_space<vmem_shared>>
      %dma_start3A_162 = arith.constant 0 : i32
      %dma_start3A_163 = tpu.memref_slice %arg9[%add3A_99, %dma_start3A_162] : memref<16x16xi32, #tpu.memory_space<vmem_shared>> -> memref<1x16xi32, #tpu.memory_space<vmem_shared>>
      %dma_start3A_164 = tpu.memref_squeeze %dma_start3A_163 : memref<1x16xi32, #tpu.memory_space<vmem_shared>> -> memref<16xi32, #tpu.memory_space<vmem_shared>>
      tpu.enqueue_dma source(%dma_start3A_164 : memref<16xi32, #tpu.memory_space<vmem_shared>>) target(%arg8 : memref<16xi32, #tpu.memory_space<vmem>>) target_semaphore(%run_scoped3A_158 : memref<!tpu.dma_semaphore, #tpu.memory_space<semaphore_mem>>)
      %dma_wait3A_165 = arith.constant 0 : i32
      %dma_wait3A_166 = tpu.memref_slice %arg9[%add3A_99, %dma_wait3A_165] : memref<16x16xi32, #tpu.memory_space<vmem_shared>> -> memref<1x16xi32, #tpu.memory_space<vmem_shared>>
      %dma_wait3A_167 = tpu.memref_squeeze %dma_wait3A_166 : memref<1x16xi32, #tpu.memory_space<vmem_shared>> -> memref<16xi32, #tpu.memory_space<vmem_shared>>
      %dma_wait3A_168 = arith.constant 0 : i32
      %dma_wait3A_169 = tpu.memref_slice %arg9[%add3A_99, %dma_wait3A_168] : memref<16x16xi32, #tpu.memory_space<vmem_shared>> -> memref<1x16xi32, #tpu.memory_space<vmem_shared>>
      %dma_wait3A_170 = tpu.memref_squeeze %dma_wait3A_169 : memref<1x16xi32, #tpu.memory_space<vmem_shared>> -> memref<16xi32, #tpu.memory_space<vmem_shared>>
      tpu.wait_dma2 semaphore(%run_scoped3A_158 : memref<!tpu.dma_semaphore, #tpu.memory_space<semaphore_mem>>) src(%dma_wait3A_170 : memref<16xi32, #tpu.memory_space<vmem_shared>>) dst(%arg8 : memref<16xi32, #tpu.memory_space<vmem>>)
      tpu.yield
    }) : () -> ()
    %broadcast_in_dim3A_100 = arith.constant 1 : i32
    %broadcast_in_dim3A_101 = vector.broadcast %broadcast_in_dim3A_100 : i32 to vector<16xi32>
    %lt3A_102 = arith.cmpi slt, %broadcast_in_dim3A_101, %broadcast_in_dim3A_87 : vector<16xi32>
    %get3A_103 = arith.constant 0 : index
    %get3A_104 = tpu.vector_load %arg8[%get3A_103] {strides = array<i32>} : memref<16xi32, #tpu.memory_space<vmem>>, vector<16xi32>,
    %select_n3A_105 = arith.select %lt3A_102, %get3A_104, %broadcast_in_dim3A_61 : vector<16xi1>, vector<16xi32>
    %add3A_106 = arith.addi %add3A_96, %select_n3A_105 : vector<16xi32>
    %sub3A_107 = arith.subi %arg1, %select_n3A_30 : i32
    %add3A_108 = arith.constant 2 : i32
    %add3A_109 = arith.addi %sub3A_107, %add3A_108 : i32
    "tpu.region"() ({
      %run_scoped3A_158 = tpu.sem_alloc : memref<!tpu.dma_semaphore, #tpu.memory_space<semaphore_mem>>
      %dma_start3A_159 = arith.constant 0 : i32
      %dma_start3A_160 = tpu.memref_slice %arg9[%add3A_109, %dma_start3A_159] : memref<16x16xi32, #tpu.memory_space<vmem_shared>> -> memref<1x16xi32, #tpu.memory_space<vmem_shared>>
      %dma_start3A_161 = tpu.memref_squeeze %dma_start3A_160 : memref<1x16xi32, #tpu.memory_space<vmem_shared>> -> memref<16xi32, #tpu.memory_space<vmem_shared>>
      %dma_start3A_162 = arith.constant 0 : i32
      %dma_start3A_163 = tpu.memref_slice %arg9[%add3A_109, %dma_start3A_162] : memref<16x16xi32, #tpu.memory_space<vmem_shared>> -> memref<1x16xi32, #tpu.memory_space<vmem_shared>>
      %dma_start3A_164 = tpu.memref_squeeze %dma_start3A_163 : memref<1x16xi32, #tpu.memory_space<vmem_shared>> -> memref<16xi32, #tpu.memory_space<vmem_shared>>
      tpu.enqueue_dma source(%dma_start3A_164 : memref<16xi32, #tpu.memory_space<vmem_shared>>) target(%arg8 : memref<16xi32, #tpu.memory_space<vmem>>) target_semaphore(%run_scoped3A_158 : memref<!tpu.dma_semaphore, #tpu.memory_space<semaphore_mem>>)
      %dma_wait3A_165 = arith.constant 0 : i32
      %dma_wait3A_166 = tpu.memref_slice %arg9[%add3A_109, %dma_wait3A_165] : memref<16x16xi32, #tpu.memory_space<vmem_shared>> -> memref<1x16xi32, #tpu.memory_space<vmem_shared>>
      %dma_wait3A_167 = tpu.memref_squeeze %dma_wait3A_166 : memref<1x16xi32, #tpu.memory_space<vmem_shared>> -> memref<16xi32, #tpu.memory_space<vmem_shared>>
      %dma_wait3A_168 = arith.constant 0 : i32
      %dma_wait3A_169 = tpu.memref_slice %arg9[%add3A_109, %dma_wait3A_168] : memref<16x16xi32, #tpu.memory_space<vmem_shared>> -> memref<1x16xi32, #tpu.memory_space<vmem_shared>>
      %dma_wait3A_170 = tpu.memref_squeeze %dma_wait3A_169 : memref<1x16xi32, #tpu.memory_space<vmem_shared>> -> memref<16xi32, #tpu.memory_space<vmem_shared>>
      tpu.wait_dma2 semaphore(%run_scoped3A_158 : memref<!tpu.dma_semaphore, #tpu.memory_space<semaphore_mem>>) src(%dma_wait3A_170 : memref<16xi32, #tpu.memory_space<vmem_shared>>) dst(%arg8 : memref<16xi32, #tpu.memory_space<vmem>>)
      tpu.yield
    }) : () -> ()
    %broadcast_in_dim3A_110 = arith.constant 2 : i32
    %broadcast_in_dim3A_111 = vector.broadcast %broadcast_in_dim3A_110 : i32 to vector<16xi32>
    %lt3A_112 = arith.cmpi slt, %broadcast_in_dim3A_111, %broadcast_in_dim3A_87 : vector<16xi32>
    %get3A_113 = arith.constant 0 : index
    %get3A_114 = tpu.vector_load %arg8[%get3A_113] {strides = array<i32>} : memref<16xi32, #tpu.memory_space<vmem>>, vector<16xi32>,
    %select_n3A_115 = arith.select %lt3A_112, %get3A_114, %broadcast_in_dim3A_61 : vector<16xi1>, vector<16xi32>
    %add3A_116 = arith.addi %add3A_106, %select_n3A_115 : vector<16xi32>
    %broadcast_in_dim3A_117 = arith.constant 8192 : i32
    %broadcast_in_dim3A_118 = vector.broadcast %broadcast_in_dim3A_117 : i32 to vector<16xi32>
    %scan3A_119 = arith.constant 0 : i32
    %scan3A_120 = arith.constant 0 : i32
    %scan3A_121 = arith.constant 8 : i32
    %scan3A_122 = arith.addi %scan3A_120, %scan3A_121 : i32
    %scan3A_123 = arith.constant 1 : i32
    %scan3A_124 = scf.for %scan3A_158 = %scan3A_120 to %scan3A_122 step %scan3A_123 iter_args(%scan3A_159 = %scan3A_119) -> (i32)  : i32 {
      %mul3A_160 = arith.constant 16 : i32
      %mul3A_161 = arith.muli %scan3A_158, %mul3A_160 : i32
      %get3A_162 = arith.constant 0 : i32
      %get3A_163 = arith.index_cast %get3A_162 : i32 to index
      %get3A_164 = arith.index_cast %mul3A_161 : i32 to index
      %get3A_165 = tpu.vector_load %arg6[%get3A_163, %get3A_164] {strides = array<i32>} : memref<4x128xi32, #tpu.memory_space<vmem>>, vector<16xi32>,
      %lt3A_166 = arith.cmpi slt, %get3A_165, %broadcast_in_dim3A_118 : vector<16xi32>
      %select_n3A_167 = arith.select %lt3A_166, %add3A_116, %broadcast_in_dim3A_61 : vector<16xi1>, vector<16xi32>
      %add3A_168 = arith.addi %get3A_165, %select_n3A_167 : vector<16xi32>
      %mul3A_169 = arith.constant 16 : i32
      %mul3A_170 = arith.muli %scan3A_158, %mul3A_169 : i32
      %swap3A_171 = arith.constant 0 : i32
      %swap3A_172 = arith.index_cast %swap3A_171 : i32 to index
      %swap3A_173 = arith.index_cast %mul3A_170 : i32 to index
      %swap3A_174 = tpu.vector_load %arg6[%swap3A_172, %swap3A_173] {strides = array<i32>} : memref<4x128xi32, #tpu.memory_space<vmem>>, vector<16xi32>,
      tpu.vector_store %arg6[%swap3A_172, %swap3A_173], %add3A_168 {strides = array<i32>} : memref<4x128xi32, #tpu.memory_space<vmem>>, vector<16xi32>,
      %scan3A_175 = arith.constant 0 : i32
      scf.yield %scan3A_175 : i32
    }
    %scan3A_125 = arith.constant 8 : i32
    %run_scoped3A = arith.constant 0 : i32
    "tpu.region"() ({
      %run_scoped3A_158 = tpu.sem_alloc : memref<!tpu.dma_semaphore, #tpu.memory_space<semaphore_mem>>
      %dma_start3A_159 = arith.constant 0 : i32
      %dma_start3A_160 = tpu.memref_slice %arg5[%dma_start3A_159] : memref<512xi32, #tpu.memory_space<vmem>> -> memref<128xi32, #tpu.memory_space<vmem>>
      %dma_start3A_161 = arith.constant 0 : i32
      %dma_start3A_162 = tpu.memref_slice %arg6[%run_scoped3A, %dma_start3A_161] : memref<4x128xi32, #tpu.memory_space<vmem>> -> memref<1x128xi32, #tpu.memory_space<vmem>>
      %dma_start3A_163 = tpu.memref_squeeze %dma_start3A_162 : memref<1x128xi32, #tpu.memory_space<vmem>> -> memref<128xi32, #tpu.memory_space<vmem>>
      %dma_start3A_164 = arith.constant 0 : i32
      %dma_start3A_165 = tpu.memref_slice %arg10[%dma_start3A_164] : memref<8208xi32, #tpu.memory_space<vmem_shared>> -> memref<8208xi32, #tpu.memory_space<vmem_shared>>
      tpu.enqueue_indirect_dma source(%dma_start3A_160 : memref<128xi32, #tpu.memory_space<vmem>>) target(%dma_start3A_165 : memref<8208xi32, #tpu.memory_space<vmem_shared>>) offsets(%dma_start3A_163 : memref<128xi32, #tpu.memory_space<vmem>>) semaphore(%run_scoped3A_158 : memref<!tpu.dma_semaphore, #tpu.memory_space<semaphore_mem>>)
      %dma_wait3A_166 = arith.constant 0 : i32
      %dma_wait3A_167 = tpu.memref_slice %arg5[%dma_wait3A_166] : memref<512xi32, #tpu.memory_space<vmem>> -> memref<128xi32, #tpu.memory_space<vmem>>
      %dma_wait3A_168 = arith.constant 0 : i32
      %dma_wait3A_169 = tpu.memref_slice %arg6[%run_scoped3A, %dma_wait3A_168] : memref<4x128xi32, #tpu.memory_space<vmem>> -> memref<1x128xi32, #tpu.memory_space<vmem>>
      %dma_wait3A_170 = tpu.memref_squeeze %dma_wait3A_169 : memref<1x128xi32, #tpu.memory_space<vmem>> -> memref<128xi32, #tpu.memory_space<vmem>>
      %dma_wait3A_171 = arith.constant 0 : i32
      %dma_wait3A_172 = tpu.memref_slice %arg10[%dma_wait3A_171] : memref<8208xi32, #tpu.memory_space<vmem_shared>> -> memref<8208xi32, #tpu.memory_space<vmem_shared>>
      tpu.wait_indirect_dma semaphore(%run_scoped3A_158 : memref<!tpu.dma_semaphore, #tpu.memory_space<semaphore_mem>>) src(%dma_wait3A_167 : memref<128xi32, #tpu.memory_space<vmem>>) dst(%dma_wait3A_172 : memref<8208xi32, #tpu.memory_space<vmem_shared>>)
      tpu.yield
    }) : () -> ()
    %scan3A_126 = arith.constant 0 : i32
    %scan3A_127 = arith.constant 0 : i32
    %scan3A_128 = arith.constant 8 : i32
    %scan3A_129 = arith.addi %scan3A_127, %scan3A_128 : i32
    %scan3A_130 = arith.constant 1 : i32
    %scan3A_131 = scf.for %scan3A_158 = %scan3A_127 to %scan3A_129 step %scan3A_130 iter_args(%scan3A_159 = %scan3A_126) -> (i32)  : i32 {
      %mul3A_160 = arith.constant 16 : i32
      %mul3A_161 = arith.muli %scan3A_158, %mul3A_160 : i32
      %get3A_162 = arith.constant 1 : i32
      %get3A_163 = arith.index_cast %get3A_162 : i32 to index
      %get3A_164 = arith.index_cast %mul3A_161 : i32 to index
      %get3A_165 = tpu.vector_load %arg6[%get3A_163, %get3A_164] {strides = array<i32>} : memref<4x128xi32, #tpu.memory_space<vmem>>, vector<16xi32>,
      %lt3A_166 = arith.cmpi slt, %get3A_165, %broadcast_in_dim3A_118 : vector<16xi32>
      %select_n3A_167 = arith.select %lt3A_166, %add3A_116, %broadcast_in_dim3A_61 : vector<16xi1>, vector<16xi32>
      %add3A_168 = arith.addi %get3A_165, %select_n3A_167 : vector<16xi32>
      %mul3A_169 = arith.constant 16 : i32
      %mul3A_170 = arith.muli %scan3A_158, %mul3A_169 : i32
      %swap3A_171 = arith.constant 1 : i32
      %swap3A_172 = arith.index_cast %swap3A_171 : i32 to index
      %swap3A_173 = arith.index_cast %mul3A_170 : i32 to index
      %swap3A_174 = tpu.vector_load %arg6[%swap3A_172, %swap3A_173] {strides = array<i32>} : memref<4x128xi32, #tpu.memory_space<vmem>>, vector<16xi32>,
      tpu.vector_store %arg6[%swap3A_172, %swap3A_173], %add3A_168 {strides = array<i32>} : memref<4x128xi32, #tpu.memory_space<vmem>>, vector<16xi32>,
      %scan3A_175 = arith.constant 0 : i32
      scf.yield %scan3A_175 : i32
    }
    %scan3A_132 = arith.constant 8 : i32
    %run_scoped3A_133 = arith.constant 1 : i32
    "tpu.region"() ({
      %run_scoped3A_158 = tpu.sem_alloc : memref<!tpu.dma_semaphore, #tpu.memory_space<semaphore_mem>>
      %dma_start3A_159 = arith.constant 128 : i32
      %dma_start3A_160 = tpu.memref_slice %arg5[%dma_start3A_159] : memref<512xi32, #tpu.memory_space<vmem>> -> memref<128xi32, #tpu.memory_space<vmem>>
      %dma_start3A_161 = arith.constant 0 : i32
      %dma_start3A_162 = tpu.memref_slice %arg6[%run_scoped3A_133, %dma_start3A_161] : memref<4x128xi32, #tpu.memory_space<vmem>> -> memref<1x128xi32, #tpu.memory_space<vmem>>
      %dma_start3A_163 = tpu.memref_squeeze %dma_start3A_162 : memref<1x128xi32, #tpu.memory_space<vmem>> -> memref<128xi32, #tpu.memory_space<vmem>>
      %dma_start3A_164 = arith.constant 0 : i32
      %dma_start3A_165 = tpu.memref_slice %arg10[%dma_start3A_164] : memref<8208xi32, #tpu.memory_space<vmem_shared>> -> memref<8208xi32, #tpu.memory_space<vmem_shared>>
      tpu.enqueue_indirect_dma source(%dma_start3A_160 : memref<128xi32, #tpu.memory_space<vmem>>) target(%dma_start3A_165 : memref<8208xi32, #tpu.memory_space<vmem_shared>>) offsets(%dma_start3A_163 : memref<128xi32, #tpu.memory_space<vmem>>) semaphore(%run_scoped3A_158 : memref<!tpu.dma_semaphore, #tpu.memory_space<semaphore_mem>>)
      %dma_wait3A_166 = arith.constant 128 : i32
      %dma_wait3A_167 = tpu.memref_slice %arg5[%dma_wait3A_166] : memref<512xi32, #tpu.memory_space<vmem>> -> memref<128xi32, #tpu.memory_space<vmem>>
      %dma_wait3A_168 = arith.constant 0 : i32
      %dma_wait3A_169 = tpu.memref_slice %arg6[%run_scoped3A_133, %dma_wait3A_168] : memref<4x128xi32, #tpu.memory_space<vmem>> -> memref<1x128xi32, #tpu.memory_space<vmem>>
      %dma_wait3A_170 = tpu.memref_squeeze %dma_wait3A_169 : memref<1x128xi32, #tpu.memory_space<vmem>> -> memref<128xi32, #tpu.memory_space<vmem>>
      %dma_wait3A_171 = arith.constant 0 : i32
      %dma_wait3A_172 = tpu.memref_slice %arg10[%dma_wait3A_171] : memref<8208xi32, #tpu.memory_space<vmem_shared>> -> memref<8208xi32, #tpu.memory_space<vmem_shared>>
      tpu.wait_indirect_dma semaphore(%run_scoped3A_158 : memref<!tpu.dma_semaphore, #tpu.memory_space<semaphore_mem>>) src(%dma_wait3A_167 : memref<128xi32, #tpu.memory_space<vmem>>) dst(%dma_wait3A_172 : memref<8208xi32, #tpu.memory_space<vmem_shared>>)
      tpu.yield
    }) : () -> ()
    %scan3A_134 = arith.constant 0 : i32
    %scan3A_135 = arith.constant 0 : i32
    %scan3A_136 = arith.constant 8 : i32
    %scan3A_137 = arith.addi %scan3A_135, %scan3A_136 : i32
    %scan3A_138 = arith.constant 1 : i32
    %scan3A_139 = scf.for %scan3A_158 = %scan3A_135 to %scan3A_137 step %scan3A_138 iter_args(%scan3A_159 = %scan3A_134) -> (i32)  : i32 {
      %mul3A_160 = arith.constant 16 : i32
      %mul3A_161 = arith.muli %scan3A_158, %mul3A_160 : i32
      %get3A_162 = arith.constant 2 : i32
      %get3A_163 = arith.index_cast %get3A_162 : i32 to index
      %get3A_164 = arith.index_cast %mul3A_161 : i32 to index
      %get3A_165 = tpu.vector_load %arg6[%get3A_163, %get3A_164] {strides = array<i32>} : memref<4x128xi32, #tpu.memory_space<vmem>>, vector<16xi32>,
      %lt3A_166 = arith.cmpi slt, %get3A_165, %broadcast_in_dim3A_118 : vector<16xi32>
      %select_n3A_167 = arith.select %lt3A_166, %add3A_116, %broadcast_in_dim3A_61 : vector<16xi1>, vector<16xi32>
      %add3A_168 = arith.addi %get3A_165, %select_n3A_167 : vector<16xi32>
      %mul3A_169 = arith.constant 16 : i32
      %mul3A_170 = arith.muli %scan3A_158, %mul3A_169 : i32
      %swap3A_171 = arith.constant 2 : i32
      %swap3A_172 = arith.index_cast %swap3A_171 : i32 to index
      %swap3A_173 = arith.index_cast %mul3A_170 : i32 to index
      %swap3A_174 = tpu.vector_load %arg6[%swap3A_172, %swap3A_173] {strides = array<i32>} : memref<4x128xi32, #tpu.memory_space<vmem>>, vector<16xi32>,
      tpu.vector_store %arg6[%swap3A_172, %swap3A_173], %add3A_168 {strides = array<i32>} : memref<4x128xi32, #tpu.memory_space<vmem>>, vector<16xi32>,
      %scan3A_175 = arith.constant 0 : i32
      scf.yield %scan3A_175 : i32
    }
    %scan3A_140 = arith.constant 8 : i32
    %run_scoped3A_141 = arith.constant 2 : i32
    "tpu.region"() ({
      %run_scoped3A_158 = tpu.sem_alloc : memref<!tpu.dma_semaphore, #tpu.memory_space<semaphore_mem>>
      %dma_start3A_159 = arith.constant 256 : i32
      %dma_start3A_160 = tpu.memref_slice %arg5[%dma_start3A_159] : memref<512xi32, #tpu.memory_space<vmem>> -> memref<128xi32, #tpu.memory_space<vmem>>
      %dma_start3A_161 = arith.constant 0 : i32
      %dma_start3A_162 = tpu.memref_slice %arg6[%run_scoped3A_141, %dma_start3A_161] : memref<4x128xi32, #tpu.memory_space<vmem>> -> memref<1x128xi32, #tpu.memory_space<vmem>>
      %dma_start3A_163 = tpu.memref_squeeze %dma_start3A_162 : memref<1x128xi32, #tpu.memory_space<vmem>> -> memref<128xi32, #tpu.memory_space<vmem>>
      %dma_start3A_164 = arith.constant 0 : i32
      %dma_start3A_165 = tpu.memref_slice %arg10[%dma_start3A_164] : memref<8208xi32, #tpu.memory_space<vmem_shared>> -> memref<8208xi32, #tpu.memory_space<vmem_shared>>
      tpu.enqueue_indirect_dma source(%dma_start3A_160 : memref<128xi32, #tpu.memory_space<vmem>>) target(%dma_start3A_165 : memref<8208xi32, #tpu.memory_space<vmem_shared>>) offsets(%dma_start3A_163 : memref<128xi32, #tpu.memory_space<vmem>>) semaphore(%run_scoped3A_158 : memref<!tpu.dma_semaphore, #tpu.memory_space<semaphore_mem>>)
      %dma_wait3A_166 = arith.constant 256 : i32
      %dma_wait3A_167 = tpu.memref_slice %arg5[%dma_wait3A_166] : memref<512xi32, #tpu.memory_space<vmem>> -> memref<128xi32, #tpu.memory_space<vmem>>
      %dma_wait3A_168 = arith.constant 0 : i32
      %dma_wait3A_169 = tpu.memref_slice %arg6[%run_scoped3A_141, %dma_wait3A_168] : memref<4x128xi32, #tpu.memory_space<vmem>> -> memref<1x128xi32, #tpu.memory_space<vmem>>
      %dma_wait3A_170 = tpu.memref_squeeze %dma_wait3A_169 : memref<1x128xi32, #tpu.memory_space<vmem>> -> memref<128xi32, #tpu.memory_space<vmem>>
      %dma_wait3A_171 = arith.constant 0 : i32
      %dma_wait3A_172 = tpu.memref_slice %arg10[%dma_wait3A_171] : memref<8208xi32, #tpu.memory_space<vmem_shared>> -> memref<8208xi32, #tpu.memory_space<vmem_shared>>
      tpu.wait_indirect_dma semaphore(%run_scoped3A_158 : memref<!tpu.dma_semaphore, #tpu.memory_space<semaphore_mem>>) src(%dma_wait3A_167 : memref<128xi32, #tpu.memory_space<vmem>>) dst(%dma_wait3A_172 : memref<8208xi32, #tpu.memory_space<vmem_shared>>)
      tpu.yield
    }) : () -> ()
    %scan3A_142 = arith.constant 0 : i32
    %scan3A_143 = arith.constant 0 : i32
    %scan3A_144 = arith.constant 8 : i32
    %scan3A_145 = arith.addi %scan3A_143, %scan3A_144 : i32
    %scan3A_146 = arith.constant 1 : i32
    %scan3A_147 = scf.for %scan3A_158 = %scan3A_143 to %scan3A_145 step %scan3A_146 iter_args(%scan3A_159 = %scan3A_142) -> (i32)  : i32 {
      %mul3A_160 = arith.constant 16 : i32
      %mul3A_161 = arith.muli %scan3A_158, %mul3A_160 : i32
      %get3A_162 = arith.constant 3 : i32
      %get3A_163 = arith.index_cast %get3A_162 : i32 to index
      %get3A_164 = arith.index_cast %mul3A_161 : i32 to index
      %get3A_165 = tpu.vector_load %arg6[%get3A_163, %get3A_164] {strides = array<i32>} : memref<4x128xi32, #tpu.memory_space<vmem>>, vector<16xi32>,
      %lt3A_166 = arith.cmpi slt, %get3A_165, %broadcast_in_dim3A_118 : vector<16xi32>
      %select_n3A_167 = arith.select %lt3A_166, %add3A_116, %broadcast_in_dim3A_61 : vector<16xi1>, vector<16xi32>
      %add3A_168 = arith.addi %get3A_165, %select_n3A_167 : vector<16xi32>
      %mul3A_169 = arith.constant 16 : i32
      %mul3A_170 = arith.muli %scan3A_158, %mul3A_169 : i32
      %swap3A_171 = arith.constant 3 : i32
      %swap3A_172 = arith.index_cast %swap3A_171 : i32 to index
      %swap3A_173 = arith.index_cast %mul3A_170 : i32 to index
      %swap3A_174 = tpu.vector_load %arg6[%swap3A_172, %swap3A_173] {strides = array<i32>} : memref<4x128xi32, #tpu.memory_space<vmem>>, vector<16xi32>,
      tpu.vector_store %arg6[%swap3A_172, %swap3A_173], %add3A_168 {strides = array<i32>} : memref<4x128xi32, #tpu.memory_space<vmem>>, vector<16xi32>,
      %scan3A_175 = arith.constant 0 : i32
      scf.yield %scan3A_175 : i32
    }
    %scan3A_148 = arith.constant 8 : i32
    %run_scoped3A_149 = arith.constant 3 : i32
    "tpu.region"() ({
      %run_scoped3A_158 = tpu.sem_alloc : memref<!tpu.dma_semaphore, #tpu.memory_space<semaphore_mem>>
      %dma_start3A_159 = arith.constant 384 : i32
      %dma_start3A_160 = tpu.memref_slice %arg5[%dma_start3A_159] : memref<512xi32, #tpu.memory_space<vmem>> -> memref<128xi32, #tpu.memory_space<vmem>>
      %dma_start3A_161 = arith.constant 0 : i32
      %dma_start3A_162 = tpu.memref_slice %arg6[%run_scoped3A_149, %dma_start3A_161] : memref<4x128xi32, #tpu.memory_space<vmem>> -> memref<1x128xi32, #tpu.memory_space<vmem>>
      %dma_start3A_163 = tpu.memref_squeeze %dma_start3A_162 : memref<1x128xi32, #tpu.memory_space<vmem>> -> memref<128xi32, #tpu.memory_space<vmem>>
      %dma_start3A_164 = arith.constant 0 : i32
      %dma_start3A_165 = tpu.memref_slice %arg10[%dma_start3A_164] : memref<8208xi32, #tpu.memory_space<vmem_shared>> -> memref<8208xi32, #tpu.memory_space<vmem_shared>>
      tpu.enqueue_indirect_dma source(%dma_start3A_160 : memref<128xi32, #tpu.memory_space<vmem>>) target(%dma_start3A_165 : memref<8208xi32, #tpu.memory_space<vmem_shared>>) offsets(%dma_start3A_163 : memref<128xi32, #tpu.memory_space<vmem>>) semaphore(%run_scoped3A_158 : memref<!tpu.dma_semaphore, #tpu.memory_space<semaphore_mem>>)
      %dma_wait3A_166 = arith.constant 384 : i32
      %dma_wait3A_167 = tpu.memref_slice %arg5[%dma_wait3A_166] : memref<512xi32, #tpu.memory_space<vmem>> -> memref<128xi32, #tpu.memory_space<vmem>>
      %dma_wait3A_168 = arith.constant 0 : i32
      %dma_wait3A_169 = tpu.memref_slice %arg6[%run_scoped3A_149, %dma_wait3A_168] : memref<4x128xi32, #tpu.memory_space<vmem>> -> memref<1x128xi32, #tpu.memory_space<vmem>>
      %dma_wait3A_170 = tpu.memref_squeeze %dma_wait3A_169 : memref<1x128xi32, #tpu.memory_space<vmem>> -> memref<128xi32, #tpu.memory_space<vmem>>
      %dma_wait3A_171 = arith.constant 0 : i32
      %dma_wait3A_172 = tpu.memref_slice %arg10[%dma_wait3A_171] : memref<8208xi32, #tpu.memory_space<vmem_shared>> -> memref<8208xi32, #tpu.memory_space<vmem_shared>>
      tpu.wait_indirect_dma semaphore(%run_scoped3A_158 : memref<!tpu.dma_semaphore, #tpu.memory_space<semaphore_mem>>) src(%dma_wait3A_167 : memref<128xi32, #tpu.memory_space<vmem>>) dst(%dma_wait3A_172 : memref<8208xi32, #tpu.memory_space<vmem_shared>>)
      tpu.yield
    }) : () -> ()
    %barrier3A_150 = arith.constant 0 : index
    tpu.barrier barrier_id(%barrier3A_150)
    %sub3A_151 = arith.subi %arg1, %select_n3A_30 : i32
    %mul3A_152 = arith.constant 512 : i32
    %mul3A_153 = arith.muli %sub3A_151, %mul3A_152 : i32
    %mul3A_154 = arith.constant 512 : i32
    %mul3A_155 = arith.muli %select_n3A_30, %mul3A_154 : i32
    %add3A_156 = arith.addi %mul3A_153, %mul3A_155 : i32
    %multiple_of3A_157 = tpu.assume_multiple %add3A_156, 512 : i32
    "tpu.region"() ({
      %run_scoped3A_158 = tpu.sem_alloc : memref<!tpu.dma_semaphore, #tpu.memory_space<semaphore_mem>>
      %dma_start3A_159 = tpu.memref_slice %arg3[%add3A, %multiple_of3A] : memref<8x2048xi32, #tpu.memory_space<hbm>> -> memref<1x512xi32, #tpu.memory_space<hbm>>
      %dma_start3A_160 = tpu.memref_squeeze %dma_start3A_159 : memref<1x512xi32, #tpu.memory_space<hbm>> -> memref<512xi32, #tpu.memory_space<hbm>>
      %dma_start3A_161 = tpu.memref_slice %arg10[%multiple_of3A_157] : memref<8208xi32, #tpu.memory_space<vmem_shared>> -> memref<512xi32, #tpu.memory_space<vmem_shared>>
      tpu.enqueue_dma source(%dma_start3A_161 : memref<512xi32, #tpu.memory_space<vmem_shared>>) target(%dma_start3A_160 : memref<512xi32, #tpu.memory_space<hbm>>) target_semaphore(%run_scoped3A_158 : memref<!tpu.dma_semaphore, #tpu.memory_space<semaphore_mem>>)
      %dma_wait3A_162 = tpu.memref_slice %arg3[%add3A, %multiple_of3A] : memref<8x2048xi32, #tpu.memory_space<hbm>> -> memref<1x512xi32, #tpu.memory_space<hbm>>
      %dma_wait3A_163 = tpu.memref_squeeze %dma_wait3A_162 : memref<1x512xi32, #tpu.memory_space<hbm>> -> memref<512xi32, #tpu.memory_space<hbm>>
      %dma_wait3A_164 = tpu.memref_slice %arg10[%multiple_of3A_157] : memref<8208xi32, #tpu.memory_space<vmem_shared>> -> memref<512xi32, #tpu.memory_space<vmem_shared>>
      tpu.wait_dma2 semaphore(%run_scoped3A_158 : memref<!tpu.dma_semaphore, #tpu.memory_space<semaphore_mem>>) src(%dma_wait3A_164 : memref<512xi32, #tpu.memory_space<vmem_shared>>) dst(%dma_wait3A_163 : memref<512xi32, #tpu.memory_space<hbm>>)
      tpu.yield
    }) : () -> ()
    return
  }
}

module attributes {stable_mosaic.version = 14 : i64} {
  func.func @tk(%arg0: i32, %arg1: memref<1xi32, #tpu.memory_space<smem>>, %arg2: memref<1x2048x128xf32, #tpu.memory_space<vmem>>, %arg3: memref<1x1x2048xf32, #tpu.memory_space<vmem>>) attributes {dimension_semantics = [#tpu.dimension_semantics<arbitrary>], iteration_bounds = array<i64: 8>, scalar_prefetch = 1 : i64, scratch_operands = 0 : i64, tpu.core_type = #tpu.core_type<tc>, window_params = [{transform_indices = @transform_0, window_bounds = array<i64: 1, 2048, 128>}, {transform_indices = @transform_1, window_bounds = array<i64: 1, 1, 2048>}]} {
    %get3A = arith.constant 0 : index
    %get3A_0 = memref.load %arg1[%get3A] : memref<1xi32, #tpu.memory_space<smem>>
    %jit3A = arith.constant 128 : i32
    %eq3A = arith.constant 0 : i32
    %eq3A_1 = arith.cmpi eq, %jit3A, %eq3A : i32
    %jit3A_2 = arith.constant 1 : i32
    %select_n3A = arith.select %eq3A_1, %jit3A_2, %jit3A : i32
    %rem3A = arith.remsi %get3A_0, %select_n3A : i32
    %ne3A = arith.constant 0 : i32
    %ne3A_3 = arith.cmpi ne, %rem3A, %ne3A : i32
    %lt3A = arith.constant 0 : i32
    %lt3A_4 = arith.cmpi slt, %rem3A, %lt3A : i32
    %lt3A_5 = arith.constant 0 : i32
    %lt3A_6 = arith.cmpi slt, %select_n3A, %lt3A_5 : i32
    %ne3A_7 = arith.xori %lt3A_4, %lt3A_6 : i1
    %and3A = arith.andi %ne3A_7, %ne3A_3 : i1
    %add3A = arith.addi %rem3A, %select_n3A : i32
    %select_n3A_8 = arith.select %and3A, %add3A, %rem3A : i32
    %get3A_9 = arith.constant 0 : index
    %get3A_10 = arith.constant 0 : index
    %get3A_11 = arith.constant 0 : index
    %get3A_12 = vector.load %arg2[%get3A_9, %get3A_10, %get3A_11] : memref<1x2048x128xf32, #tpu.memory_space<vmem>>, vector<1x2048x128xf32>
    %get3A_13 = vector.shape_cast %get3A_12 : vector<1x2048x128xf32> to vector<2048x128xf32>
    %iota3A = tpu.iota {dimensions = array<i32: 1>} : vector<1x128xi32>
    %eq3A_14 = vector.broadcast %select_n3A_8 : i32 to vector<1x128xi32>
    %eq3A_15 = arith.cmpi eq, %iota3A, %eq3A_14 : vector<1x128xi32>
    %convert_element_type3A = arith.extui %eq3A_15 : vector<1x128xi1> to vector<1x128xi32>
    %convert_element_type3A_16 = arith.sitofp %convert_element_type3A : vector<1x128xi32> to vector<1x128xf32>
    %dot_general3A = arith.constant dense<0.000000e+00> : vector<1x2048xf32>
    %dot_general3A_17 = tpu.matmul %convert_element_type3A_16, %get3A_13, %dot_general3A {dimension_numbers = #tpu.dot_dimension_numbers<[1], [1], [0], [0], [0, 0, 1, 0], [], []>, transpose_lhs_hint = false} : vector<1x128xf32>, vector<2048x128xf32>, vector<1x2048xf32> -> vector<1x2048xf32>
    %swap3A = arith.constant 0 : index
    %swap3A_18 = arith.constant 0 : index
    %swap3A_19 = arith.constant 0 : index
    %swap3A_20 = vector.load %arg3[%swap3A, %swap3A_18, %swap3A_19] : memref<1x1x2048xf32, #tpu.memory_space<vmem>>, vector<1x1x2048xf32>
    %swap3A_21 = vector.shape_cast %swap3A_20 : vector<1x1x2048xf32> to vector<1x2048xf32>
    %swap3A_22 = vector.shape_cast %dot_general3A_17 : vector<1x2048xf32> to vector<1x1x2048xf32>
    tpu.vector_store %arg3[%swap3A, %swap3A_18, %swap3A_19], %swap3A_22 {strides = array<i32>} : memref<1x1x2048xf32, #tpu.memory_space<vmem>>, vector<1x1x2048xf32>,
    return
  }
  func.func @transform_0(%arg0: i32, %arg1: memref<1xi32, #tpu.memory_space<smem>>) -> (i32, i32, i32) {
    %get3A = arith.constant 0 : index
    %get3A_0 = memref.load %arg1[%get3A] : memref<1xi32, #tpu.memory_space<smem>>
    %jit3A = arith.constant 128 : i32
    %div3A = arith.divsi %get3A_0, %jit3A : i32
    %sign3A = arith.constant 0 : i32
    %sign3A_1 = arith.cmpi sgt, %get3A_0, %sign3A : i32
    %sign3A_2 = arith.extui %sign3A_1 : i1 to i32
    %sign3A_3 = arith.constant 0 : i32
    %sign3A_4 = arith.cmpi slt, %get3A_0, %sign3A_3 : i32
    %sign3A_5 = arith.extui %sign3A_4 : i1 to i32
    %sign3A_6 = arith.subi %sign3A_2, %sign3A_5 : i32
    %sign3A_7 = arith.constant 0 : i32
    %sign3A_8 = arith.cmpi sgt, %jit3A, %sign3A_7 : i32
    %sign3A_9 = arith.extui %sign3A_8 : i1 to i32
    %sign3A_10 = arith.constant 0 : i32
    %sign3A_11 = arith.cmpi slt, %jit3A, %sign3A_10 : i32
    %sign3A_12 = arith.extui %sign3A_11 : i1 to i32
    %sign3A_13 = arith.subi %sign3A_9, %sign3A_12 : i32
    %ne3A = arith.cmpi ne, %sign3A_6, %sign3A_13 : i32
    %rem3A = arith.remsi %get3A_0, %jit3A : i32
    %ne3A_14 = arith.constant 0 : i32
    %ne3A_15 = arith.cmpi ne, %rem3A, %ne3A_14 : i32
    %and3A = arith.andi %ne3A, %ne3A_15 : i1
    %sub3A = arith.constant 1 : i32
    %sub3A_16 = arith.subi %div3A, %sub3A : i32
    %select_n3A = arith.select %and3A, %sub3A_16, %div3A : i32
    %c0_i32 = arith.constant 0 : i32
    %c0_i32_17 = arith.constant 0 : i32
    return %arg0, %c0_i32, %select_n3A : i32, i32, i32
  }
  func.func @transform_1(%arg0: i32, %arg1: memref<1xi32, #tpu.memory_space<smem>>) -> (i32, i32, i32) {
    %c0_i32 = arith.constant 0 : i32
    %c0_i32_0 = arith.constant 0 : i32
    %c0_i32_1 = arith.constant 0 : i32
    return %arg0, %c0_i32, %c0_i32_0 : i32, i32, i32
  }
}

</mosaic_0001>

<sc_bundles>
// kernel: kernel.4.cloned.1.call-start
scs
__scs_entry_jumppad:
0x0: {  	(pc) =	sbr.rel $0x88, $3  }
0x1: {  	(tag) =	ssettag $0x0;
	lr =	simm.s32 $0x1  }
0x2: {  	[smem:$0x3F9F] =	sst lr;
	_ =	strace $0xD0000000  }
0x3: {  	_ = 	snop  }
0x4: {  	_ = 	snop  }
0x5: {  	_ = 	snop  }
0x6: {  	_ = 	snop  }
0x7: {  	_ = 	snop  }
__scs_overlays_trampoline_lowered:
0x8: {  	[smem:$0x3FAE] =	sst s0  }
0x9: {  	[smem:$0x3FAF] =	sst s1  }
0xa: {  	[smem:$0x3FB0] =	sst s2  }
0xb: {  	[smem:$0x3FB1] =	sst s3  }
0xc: {  	[smem:$0x3FB2] =	sst s4  }
0xd: {  	[smem:$0x3FB3] =	sst s5  }
0xe: {  	[smem:$0x3FB4] =	sst s6  }
0xf: {  	[smem:$0x3FB5] =	sst s7  }
0x10: {  	[smem:$0x3FB6] =	sst s8  }
0x11: {  	[smem:$0x3FB7] =	sst s9;
	s0 =	simm.s32 @!p0 $0x0  }
0x12: {  	s1 =	sld [smem:$0x3F9D];
	s0 =	simm.s32 @p0 $0x1  }
0x13: {  	[smem:$0x3FB8] =	sst s0;
	s0 =	simm.s32 @!p1 $0x0  }
0x14: {  	s2 =	sld [smem:$0x3F9C];
	s0 =	simm.s32 @p1 $0x1  }
0x15: {  	[smem:$0x3FB9] =	sst s0;
	s0 =	simm.s32 @!p2 $0x0  }
0x16: {  	s3 =	sld [smem:$0x3FDB];
	s0 =	simm.s32 @p2 $0x1  }
0x17: {  	s4 =	simm.s32 $0x1BF5;
	[smem:$0x3FBB] =	sst s0  }
0x18: {  	s0 =	sld [smem:$0x3F9E];
	_ =	swait.ge [sflag:s4], $0x0  }
0x19: {  	s7 =	sld [smem:$0x3F9F]  }
0x1a: {  	s8 =	sadd.s32 $0xFFFFE003, lr  }
0x1b: {  	s9 =	sadd.s32 $0xFFFFFEF7, lr;
	s5 =	simm.s32 $0xFFFFFFFF;
	p2 =	slt.u32 s8, $0xFFFFF086  }
0x1c: {  	p1 =	slt.u32 s9, $0xF7A;
	s5 =	simm.s32 @!p2 $0x0  }
0x1d: {  	s5 =	simm.s32 @p1 $0x1;
	p0 =	seq.s32 s7, s2  }
0x1e: {  	s7 =	smul.u32 @!p0 $0xF7A, s2;
	p2 =	seq.s32 @!p0 s5, $0x0  }
0x1f: {  	s9 =	smul.u32 $0xF7A, s1;
	s8 =	simm.s32 @!p0 $0x1BF5;
	p2 =	por !p2, p0  }
0x20: {  	[sflag:s8] =	ssyncset.s32 @!p0 $0xFFFFF086;
	s6 =	sadd.s32 @!p0 s3, s7;
	s7 =	simm.s32 @!p0 $0x108  }
0x21: {  	s3 =	sadd.s32 s3, s9;
	s6 =	sadd.s32 @!p0 $0x88, s6;
	s7 =	simm.s32 @p2 $0x1082  }
0x22: {  	[simem:s7], [sflag:s8] =	dma.local @!p0 [hbm:s6], $0xF7A  }
0x23: {  	s9 =	sor.u32 $0xD0000000, s2;
	s6 =	simm.s32 $0x108;
	_ =	swait.ge @!p0 [sflag:s8], $0x0  }
0x24: {  	s3 =	sadd.s32 $0x88, s3;
	s6 =	simm.s32 @!p1 $0x1082;
	[sflag:s4] =	ssyncset.s32 $0xFFFFF086  }
0x25: {  	[simem:s6], [sflag:s4] =	dma.local [hbm:s3], $0xF7A  }
0x26: {  	[smem:$0x3F9F] =	sst s1;
	(tag) =	ssettag s2;
	_ =	strace s9  }
0x27: {  	s1 =	sld [smem:$0x3FAF]  }
0x28: {  	s2 =	sld [smem:$0x3FB0]  }
0x29: {  	s4 =	sld [smem:$0x3FB2]  }
0x2a: {  	p0 =	seq.s32 s5, $0x0;
	s5 =	sld [smem:$0x3FB3]  }
0x2b: {  	s6 =	sld [smem:$0x3FB4]  }
0x2c: {  	s7 =	sld [smem:$0x3FB5]  }
0x2d: {  	s3 =	simm.s32 $0x108;
	s8 =	sld [smem:$0x3FB6]  }
0x2e: {  	s3 =	simm.s32 @!p0 $0x1082;
	s9 =	sld [smem:$0x3FB7]  }
0x2f: {  	lr =	sadd.s32 s0, s3;
	s0 =	sld [smem:$0x3FAE]  }
0x30: {  	s3 =	sld [smem:$0x3FB1]  }
0x31: {  	[smem:$0x3FBA] =	sst s10  }
0x32: {  	s10 =	sld [smem:$0x3FB8];
	_ =	sdelay $0x3  }
0x33: {  	p0 =	seq.s32 s10, $0x1;
	s10 =	sld [smem:$0x3FBA];
	_ =	sdelay $0x3  }
0x34: {  	[smem:$0x3FBA] =	sst s10  }
0x35: {  	s10 =	sld [smem:$0x3FB9];
	_ =	sdelay $0x3  }
0x36: {  	p1 =	seq.s32 s10, $0x1;
	s10 =	sld [smem:$0x3FBA];
	_ =	sdelay $0x3  }
0x37: {  	[smem:$0x3FBA] =	sst s10  }
0x38: {  	s10 =	sld [smem:$0x3FBB]  }
0x39: {  	_ = 	snop;
	(pc) =	sbr.ind lr, $3  }
0x3a: {  	_ = 	snop  }
0x3b: {  	_ = 	snop  }
0x3c: {  	p2 =	seq.s32 s10, $0x1;
	s10 =	sld [smem:$0x3FBA]  }
0x3d: {  	_ =	shalt  }
0x3e: {  	_ =	shalt  }
0x3f: {  	_ =	shalt  }
0x40: {  	_ =	shalt  }
0x41: {  	_ =	shalt  }
0x42: {  	_ =	shalt  }
0x43: {  	_ =	shalt  }
0x44: {  	_ =	shalt  }
0x45: {  	_ =	shalt  }
0x46: {  	_ =	shalt  }
0x47: {  	_ =	shalt  }
0x48: {  	_ =	shalt  }
0x49: {  	_ =	shalt  }
0x4a: {  	_ =	shalt  }
0x4b: {  	_ =	shalt  }
0x4c: {  	_ =	shalt  }
0x4d: {  	_ =	shalt  }
0x4e: {  	_ =	shalt  }
0x4f: {  	_ =	shalt  }
0x50: {  	_ =	shalt  }
0x51: {  	_ =	shalt  }
0x52: {  	_ =	shalt  }
0x53: {  	_ =	shalt  }
0x54: {  	_ =	shalt  }
0x55: {  	_ =	shalt  }
0x56: {  	_ =	shalt  }
0x57: {  	_ =	shalt  }
0x58: {  	_ =	shalt  }
0x59: {  	_ =	shalt  }
0x5a: {  	_ =	shalt  }
0x5b: {  	_ =	shalt  }
0x5c: {  	_ =	shalt  }
0x5d: {  	_ =	shalt  }
0x5e: {  	_ =	shalt  }
0x5f: {  	_ =	shalt  }
0x60: {  	_ =	shalt  }
0x61: {  	_ =	shalt  }
0x62: {  	_ =	shalt  }
0x63: {  	_ =	shalt  }
0x64: {  	_ =	shalt  }
0x65: {  	_ =	shalt  }
0x66: {  	_ =	shalt  }
0x67: {  	_ =	shalt  }
0x68: {  	_ =	shalt  }
0x69: {  	_ =	shalt  }
0x6a: {  	_ =	shalt  }
0x6b: {  	_ =	shalt  }
0x6c: {  	_ =	shalt  }
0x6d: {  	_ =	shalt  }
0x6e: {  	_ =	shalt  }
0x6f: {  	_ =	shalt  }
0x70: {  	_ =	shalt  }
0x71: {  	_ =	shalt  }
0x72: {  	_ =	shalt  }
0x73: {  	_ =	shalt  }
0x74: {  	_ =	shalt  }
0x75: {  	_ =	shalt  }
0x76: {  	_ =	shalt  }
0x77: {  	_ =	shalt  }
0x78: {  	_ =	shalt  }
0x79: {  	_ =	shalt  }
0x7a: {  	_ =	shalt  }
0x7b: {  	_ =	shalt  }
0x7c: {  	_ =	shalt  }
0x7d: {  	_ =	shalt  }
0x7e: {  	_ =	shalt  }
0x7f: {  	_ =	shalt  }
0x80: {  	_ =	shalt  }
0x81: {  	_ =	shalt  }
0x82: {  	_ =	shalt  }
0x83: {  	_ =	shalt  }
0x84: {  	_ =	shalt  }
0x85: {  	_ =	shalt  }
0x86: {  	_ =	shalt  }
0x87: {  	_ =	shalt  }
.Lfunc_end0:
.L_simem_size_0:
called_computation_lowered:
.L_overlay_start_0:
0x88: {  	s2 =	sld [smem:$0x3FD9]  }
0x89: {  	s3 =	sld [smem:$0x3FFE];
	_ =	sdelay $0x1  }
0x8a: {  	s1 =	srdreg.scid  }
0x8b: {  	s0 =	sand.u32 $0x1, s1  }
0x8c: {  	s15 =	sshll.u32 s0, $0xA;
	s2 =	sadd.s32 s3, s2  }
0x8d: {  	s2 =	sadd.s32 s2, s15  }
0x8e: {  	[smem:$0x3FC6] =	sst s2  }
0x8f: {  	_ = 	snop  }
0x90: {  	s2 =	sld [smem:$0x3FD0];
	_ =	sdelay $0x2  }
0x91: {  	s16 =	simm.s32 $0xA;
	s4 =	simm.s32 $0x10  }
0x92: {  	[smem:s4], [sflag:s16] =	dma.local [hbm:s2], $0x1  }
0x93: {  	_ =	swait.eq [sflag:s16], $0x1  }
0x94: {  	[sflag:s16] =	ssyncset.done $0x0  }
0x95: {  	s17 =	sld [smem:$0x10];
	[sflag:s16] =	ssyncadd.s32 $0xFFFFFFFF  }
0x96: {  	s18 =	sld [smem:$0x11];
	(tm) =	ssettm $0x1  }
0x97: {  	s19 =	sld [smem:$0x3FFB];
	_ =	sdelay $0x3  }
0x98: {  	_ =	strace s19  }
0x99: {  	s4 =	sld [smem:$0x3FFC];
	_ =	sdelay $0x3  }
0x9a: {  	_ =	strace s4  }
0x9b: {  	s4 =	sld [smem:$0x3FFD];
	_ =	sdelay $0x3  }
0x9c: {  	_ =	strace s4  }
0x9d: {  	_ =	strace $0x8FFFFFFF  }
0x9e: {  	s20 =	sld [smem:$0x3FDB];
	_ =	sdelay $0x1  }
0x9f: {  	s5 =	simm.s32 $_scs_section_size  }
0xa0: {  	s6 =	simm.s32 $_size__tile_overlayer_lowered;
	s7 =	simm.s32 $_tile_overlayer_lowered  }
0xa1: {  	s23 =	simm.s32 $0x1BFF;
	s22 =	sshll.u32 s7, $0x1;
	s4 =	sadd.s32 s5, s20  }
0xa2: {  	s8 =	simm.s32 $0x0;
	s21 =	sshll.u32 s6, $0x1;
	s6 =	sadd.s32 s22, s4  }
0xa3: {  	[timem:s8], [sflag:s23] =	dma.local [hbm:s6], s21  }
0xa4: {  	_ =	swait.ge [sflag:s23], s21  }
0xa5: {  	s5 =	ssub.s32 $0x0, s21;
	[sflag:s23] =	ssyncset.done $0x0  }
0xa6: {  	[sflag:s23] =	ssyncadd.s32 s5;
	_ =	sdelay $0x1  }
0xa7: {  	s24 =	simm.s32 $0x1B8B  }
0xa8: {  	_ =	swait.ge [sflag:s24], $0x1  }
0xa9: {  	[sflag:s24] =	ssyncset.done $0x0  }
0xaa: {  	s25 =	simm.s32 $0x1B8E;
	[sflag:s24] =	ssyncadd.s32 $0xFFFFFFFF  }
0xab: {  	s26 =	simm.s32 $execute0_lowered;
	[smem:$0x3FD2] =	sst s25  }
0xac: {  	s5 =	sshll.u32 s26, $0x1;
	_ =	strace $0x80000046;
	[dreg:$0x1] =	wrdreg $0xFFFFFFFF  }
0xad: {  	s28 =	simm.s32 $_size_execute0_lowered;
	s4 =	sadd.s32 s4, s5;
	[dreg:$0x0] =	wrdreg $0x0  }
0xae: {  	s5 =	sshll.u32 s28, $0x1;
	[dreg:$0x2] =	wrdreg s4  }
0xaf: {  	[dreg:$0x3] =	wrdreg s5  }
0xb0: {  	[dreg:$0x4] =	wrdreg $0xC0  }
0xb1: {  	_ =	task [dreg:s8], $0x5FFFF  }
0xb2: {  	[dreg:$0x1] =	wrdreg $0xFFFFFFFF  }
0xb3: {  	[dreg:$0x0] =	wrdreg $0x60  }
0xb4: {  	[dreg:$0x2] =	wrdreg s17  }
0xb5: {  	[dreg:$0x3] =	wrdreg s18  }
0xb6: {  	[dreg:$0x4] =	wrdreg $0x8800  }
0xb7: {  	[dreg:$0x5] =	wrdreg $0x8900  }
0xb8: {  	[dreg:$0x6] =	wrdreg $0x9  }
0xb9: {  	_ =	task.clear_ibuf [dreg:s8], $0x7FFFF;
	_ =	strace $0x90000046  }
0xba: {  	s29 =	simm.s32 $0x9;
	_ =	strace $0x80000048  }
0xbb: {  	_ =	swait.ge [sflag:s29], $0x1  }
0xbc: {  	[sflag:s29] =	ssyncadd.s32 $0xFFFFFFFF  }
0xbd: {  	_ =	strace $0x90000048  }
0xbe: {  	_ =	sfence  }
0xbf: {  	s30 =	sld [smem:$0x0];
	_ =	sdelay $0x2  }
0xc0: {  	s31 =	sshll.u32 s1, $0xD;
	s1 =	sshrl.u32 s1, $0x2  }
0xc1: {  	s3 =	sand.u32 $0x4000, s31;
	s1 =	sadd.s32 s1, s30  }
0xc2: {  	s0 =	sor.u32 s3, s0;
	s1 =	sshll.u32 s1, $0x11  }
0xc3: {  	s0 =	sor.u32 s1, s0  }
0xc4: {  	s0 =	sadd.s32 $0x8F2B, s0  }
0xc5: {  	[sflag:s0] =	ssyncadd.remote.s32 $0x1  }
0xc6: {  	_ =	sfence.sel $0xFFFF  }
0xc7: {  	[dreg:$0x0] =	wrdreg $0xFFFFFFFF;
	(pc) =	sbr.abs _section_cstart, $3  }
0xc8: {  	[dreg:$0x1] =	wrdreg $0xFFFFFFFF  }
0xc9: {  	_ =	task.clear_ibuf [dreg:s8], $0x2FFFF;
	_ =	strace $0x9FFFFFFF  }
0xca: {  	(tm) =	ssettm $0x7FFFFFFF  }
0xcb: {  	_ =	shalt  }
tec
execute0_lowered:
.L_overlay_start_1:
0x0: {  	(tag) =	ssettag $0x1  }
0x1: {  	s0 =	rddreg [dreg:$0x0]  }
0x2: {  	s10 =	rddreg [dreg:$0x1]  }
0x3: {  	s8 =	rddreg [dreg:$0x2]  }
0x4: {  	s2 =	rddreg [dreg:$0x3]  }
0x5: {  	s4 =	srdreg.scid;
	s3 =	simm.s32 $0x0;
	s1 =	stileid.u32  }
0x6: {  	s14 =	simm.s32 $0x2;
	s15 =	simm.s32 $0x1;
	s16 =	simm.s32 $0x800  }
0x7: {  	s17 =	simm.s32 $0x80;
	s18 =	simm.s32 $0x400;
	s21 =	simm.s32 $0x280  }
0x8: {  	s22 =	simm.s32 $0x500;
	s23 =	simm.s32 $0x300;
	s24 =	simm.s32 $0x580  }
0x9: {  	s28 =	simm.s32 $0x0;
	s4 =	sand.u32 $0x1, s4;
	[smem:$0x7FF] =	sst s3  }
0xa: {  	s6 =	sshrl.u32 s1, $0x2;
	s19 =	sand.u32 $0x3, s1;
	s9 =	sshll.u32 s1, $0x9  }
0xb: {  	s5 =	sshll.u32 s4, $0x2;
	_ =	strace $0x80000047;
	s25 =	ssub.s32 $0x2, s4  }
0xc: {  	s4 =	sshll.u32 s19, $0x9;
	s20 =	sand.u32 $0x1800, s9;
	s29 =	sshrl.u32 s9, $0x2  }
0xd: {  	v5 =	vmov s19;
	s19 =	simm.s32 $0x200;
	s11 =	sor.u32 s6, s5;
	s7 =	sshrl.u32 s25, $0x1  }
0xe: {  	s13 =	sshrl.u32 s20, $0x2;
	s31 =	sadd.s32 s10, s4;
	v0 =	vmov s20;
	s20 =	simm.s32 $0x480  }
0xf: {  	s6 =	sshll.u32 s11, $0xB;
	s12 =	ssub.s32 s25, s7;
	s7 =	sadd.s32 s29, s8  }
0x10: {  	s8 =	sadd.s32 s13, s8;
	s30 =	sshll.u32 s11, $0x4;
	s25 =	simm.s32 $0x380  }
0x11: {  	v1 =	vlaneseq.u32;
	s6 =	sor.u32 s4, s6;
	s10 =	sadd.s32 $0x100, s8;
	s11 =	sadd.s32 s30, s31  }
0x12: {  	v2 =	vimm.s32 $0x0;
	v4 =	vimm.s32 $0xF;
	v3 =	vor.u32 $0x2000, v1;
	s12 =	smax.u32 s12, $0x1;
	s26 =	sshrl.u32 s6, $0x3;
	s6 =	sadd.s32 s9, s2  }
0x13: {  	vm0 =	veq.s32 v5, $0x3;
	vm1 =	vgt.u32 v5, $0x1;
	vm2 =	veq.s32 v5, $0x0;
	s9 =	sadd.s32 $0x80, s8;
	s5 =	sadd.s32 s0, s26;
	s26 =	simm.s32 $0x10  }
.LBB2_1:
0x14: {  	[tilespmem:s3], [sflag:$0x1] =	stream.linear.gather [hbm4b:s5+s3], $0x200, $0x38;
	[tilespmem:$0xA98] =	vst v63  }
0x15: {  	[tilespmem:$0x600] =	vst v2  }
0x16: {  	[tilespmem:$0x610] =	vst v2  }
0x17: {  	[tilespmem:$0x620] =	vst v2  }
0x18: {  	[tilespmem:$0x630] =	vst v2  }
0x19: {  	[tilespmem:$0x640] =	vst v2  }
0x1a: {  	[tilespmem:$0x650] =	vst v2  }
0x1b: {  	[tilespmem:$0x660] =	vst v2  }
0x1c: {  	[tilespmem:$0x670] =	vst v2  }
0x1d: {  	[tilespmem:$0x680] =	vst v2  }
0x1e: {  	[tilespmem:$0x690] =	vst v2  }
0x1f: {  	[tilespmem:$0x6A0] =	vst v2  }
0x20: {  	[tilespmem:$0x6B0] =	vst v2  }
0x21: {  	[tilespmem:$0x6C0] =	vst v2  }
0x22: {  	[tilespmem:$0x6D0] =	vst v2  }
0x23: {  	[tilespmem:$0x6E0] =	vst v2  }
0x24: {  	[tilespmem:$0x6F0] =	vst v2  }
0x25: {  	[tilespmem:$0x700] =	vst v2  }
0x26: {  	[tilespmem:$0x710] =	vst v2  }
0x27: {  	[tilespmem:$0x720] =	vst v2  }
0x28: {  	[tilespmem:$0x730] =	vst v2  }
0x29: {  	[tilespmem:$0x740] =	vst v2  }
0x2a: {  	[tilespmem:$0x750] =	vst v2  }
0x2b: {  	[tilespmem:$0x760] =	vst v2  }
0x2c: {  	[tilespmem:$0x770] =	vst v2  }
0x2d: {  	[tilespmem:$0x780] =	vst v2  }
0x2e: {  	[tilespmem:$0x790] =	vst v2  }
0x2f: {  	[tilespmem:$0x7A0] =	vst v2  }
0x30: {  	[tilespmem:$0x7B0] =	vst v2  }
0x31: {  	[tilespmem:$0x7C0] =	vst v2  }
0x32: {  	[tilespmem:$0x7D0] =	vst v2  }
0x33: {  	[tilespmem:$0x7E0] =	vst v2  }
0x34: {  	s0 =	simm.s32 $0x600;
	[tilespmem:$0x7F0] =	vst v2  }
0x35: {  	[spmem:s6] =	stream.linear.scatter [tilespmem:s0], [sflag:$0x2], $0x200, $0x38;
	[tilespmem:$0xA98] =	vst v63  }
0x36: {  	_ =	swait.ge [sflag:s14], $0x200  }
0x37: {  	[sflag:s14] =	ssyncset.done $0x0  }
0x38: {  	[sflag:s14] =	ssyncadd.s32 $0xFFFFFE00  }
0x39: {  	_ =	swait.ge [sflag:s15], $0x200  }
0x3a: {  	[sflag:s15] =	ssyncset.done $0x0  }
0x3b: {  	[sflag:s15] =	ssyncadd.s32 $0xFFFFFE00  }
0x3c: {  	v5 =	vld [tilespmem:s3+$0x0];
	_ =	sdelay $0x4  }
0x3d: {  	vm3 =	vlt.f32 v5, $0.0e+00;
	vm4 =	vgt.f32 v5, $0.0e+00  }
0x3e: {  	vm3 =	vmor vm4, vm3  }
0x3f: {  	v5 =	vsel vm3, $0x1, v2  }
0x40: {  	(xrf0) =	vadd.scan.msk.s32 $0xffff, v5;
	_ =	sdelay $0x2  }
0x41: {  	v6 =	vadd.s32 v0, v2;
	_ =	sdelay $0x1  }
0x42: {  	v5 =	vsel vm3, $0xFFFFFFFF, v2  }
0x43: {  	s13 =	sor.u32 s4, s3;
	v5 =	vadd.s32 v5, v6;
	v6, _, _ =	vpop (xrf0)  }
0x44: {  	s29 =	simm.s32 $0x10;
	v7 =	vor.u32 s13, v1;
	v5 =	vadd.s32 v6, v5;
	v6 =	vperm.xlane v6, v4  }
0x45: {  	s30 =	simm.s32 $0x400;
	s31 =	simm.s32 $0x200;
	s0 =	simm.s32 $0x0;
	[tilespmem:s19+$0x0] =	vst v7;
	v7 =	vsel vm3, v5, v3;
	v5 =	vimm.s32 $0x0  }
.LBB2_2:
0x46: {  	[tilespmem:s30+$0x0] =	vst v7;
	v5 =	vadd.s32 v5, v6;
	s0 =	sadd.s32 $0x10, s0;
	s31 =	sadd.s32 $0x10, s31;
	s30 =	sadd.s32 $0x10, s30  }
0x47: {  	p0 =	sne.s32 s29, $0x70;
	s13 =	smov.u32 s29;
	s29 =	sadd.s32 $0x10, s29;
	v6 =	vld [tilespmem:s0+$0x0]  }
0x48: {  	_ =	sdelay $0x3  }
0x49: {  	vm3 =	vlt.f32 v6, $0.0e+00;
	vm4 =	vgt.f32 v6, $0.0e+00  }
0x4a: {  	vm3 =	vmor vm4, vm3  }
0x4b: {  	v6 =	vsel vm3, $0xFFFFFFFF, v2;
	v7 =	vsel vm3, $0x1, v2  }
0x4c: {  	(xrf0) =	vadd.scan.msk.s32 $0xffff, v7;
	_ =	sdelay $0x3  }
.Ltmp0:
0x4d: {  	(pc) =	sbr.rel @p0 .LBB2_2-.Ltmp0, $4  }
0x4e: {  	v8 =	vadd.s32 v0, v5  }
0x4f: {  	s13 =	sor.u32 s4, s13;
	v6 =	vadd.s32 v6, v8;
	v7, _, _ =	vpop (xrf0)  }
0x50: {  	v8 =	vor.u32 s13, v1;
	v9 =	vadd.s32 v7, v6;
	v6 =	vperm.xlane v7, v4  }
0x51: {  	[tilespmem:s31+$0x0] =	vst v8;
	v7 =	vsel vm3, v9, v3  }
0x52: {  	[tilespmem:s30+$0x0] =	vst v7;
	s29 =	simm.s32 $0x80  }
0x53: {  	v7 =	vld [tilespmem:s29+$0x0];
	_ =	sdelay $0x4  }
0x54: {  	vm3 =	vlt.f32 v7, $0.0e+00;
	vm4 =	vgt.f32 v7, $0.0e+00  }
0x55: {  	vm3 =	vmor vm4, vm3  }
0x56: {  	v7 =	vsel vm3, $0x1, v2  }
0x57: {  	(xrf0) =	vadd.scan.msk.s32 $0xffff, v7;
	_ =	sdelay $0x1  }
0x58: {  	v5 =	vadd.s32 v5, v6  }
0x59: {  	v7 =	vadd.s32 v0, v5;
	_ =	sdelay $0x1  }
0x5a: {  	v6 =	vsel vm3, $0xFFFFFFFF, v2  }
0x5b: {  	s0 =	sor.u32 s4, s29;
	v6 =	vadd.s32 v6, v7;
	v7, _, _ =	vpop (xrf0)  }
0x5c: {  	s30 =	simm.s32 $0x280;
	v8 =	vor.u32 s0, v1;
	v9 =	vadd.s32 v7, v6;
	v6 =	vperm.xlane v7, v4  }
0x5d: {  	s31 =	simm.s32 $0x480;
	s0 =	simm.s32 $0x90;
	[tilespmem:s30+$0x0] =	vst v8;
	v7 =	vsel vm3, v9, v3  }
.LBB2_4:
0x5e: {  	[tilespmem:s31+$0x0] =	vst v7;
	v5 =	vadd.s32 v5, v6;
	s29 =	sadd.s32 $0x10, s29;
	s30 =	sadd.s32 $0x10, s30;
	s31 =	sadd.s32 $0x10, s31  }
0x5f: {  	p0 =	sne.s32 s0, $0xF0;
	s13 =	smov.u32 s0;
	s0 =	sadd.s32 $0x10, s0;
	v6 =	vld [tilespmem:s29+$0x0]  }
0x60: {  	_ =	sdelay $0x3  }
0x61: {  	vm3 =	vlt.f32 v6, $0.0e+00;
	vm4 =	vgt.f32 v6, $0.0e+00  }
0x62: {  	vm3 =	vmor vm4, vm3  }
0x63: {  	v6 =	vsel vm3, $0xFFFFFFFF, v2;
	v7 =	vsel vm3, $0x1, v2  }
0x64: {  	(xrf0) =	vadd.scan.msk.s32 $0xffff, v7;
	_ =	sdelay $0x3  }
.Ltmp1:
0x65: {  	(pc) =	sbr.rel @p0 .LBB2_4-.Ltmp1, $4  }
0x66: {  	v8 =	vadd.s32 v0, v5  }
0x67: {  	s13 =	sor.u32 s4, s13;
	v6 =	vadd.s32 v6, v8;
	v7, _, _ =	vpop (xrf0)  }
0x68: {  	v8 =	vor.u32 s13, v1;
	v9 =	vadd.s32 v7, v6;
	v6 =	vperm.xlane v7, v4  }
0x69: {  	[tilespmem:s30+$0x0] =	vst v8;
	v7 =	vsel vm3, v9, v3  }
0x6a: {  	[tilespmem:s31+$0x0] =	vst v7;
	s29 =	simm.s32 $0x100  }
0x6b: {  	v7 =	vld [tilespmem:s29+$0x0];
	_ =	sdelay $0x4  }
0x6c: {  	vm3 =	vlt.f32 v7, $0.0e+00;
	vm4 =	vgt.f32 v7, $0.0e+00  }
0x6d: {  	vm3 =	vmor vm4, vm3  }
0x6e: {  	v7 =	vsel vm3, $0x1, v2  }
0x6f: {  	(xrf0) =	vadd.scan.msk.s32 $0xffff, v7;
	_ =	sdelay $0x1  }
0x70: {  	v5 =	vadd.s32 v5, v6  }
0x71: {  	v7 =	vadd.s32 v0, v5;
	_ =	sdelay $0x1  }
0x72: {  	v6 =	vsel vm3, $0xFFFFFFFF, v2  }
0x73: {  	s0 =	sor.u32 s4, s29;
	v6 =	vadd.s32 v6, v7;
	v7, _, _ =	vpop (xrf0)  }
0x74: {  	s30 =	simm.s32 $0x300;
	v8 =	vor.u32 s0, v1;
	v9 =	vadd.s32 v7, v6;
	v6 =	vperm.xlane v7, v4  }
0x75: {  	s31 =	simm.s32 $0x500;
	s0 =	simm.s32 $0x110;
	[tilespmem:s30+$0x0] =	vst v8;
	v7 =	vsel vm3, v9, v3  }
.LBB2_6:
0x76: {  	[tilespmem:s31+$0x0] =	vst v7;
	v5 =	vadd.s32 v5, v6;
	s29 =	sadd.s32 $0x10, s29;
	s30 =	sadd.s32 $0x10, s30;
	s31 =	sadd.s32 $0x10, s31  }
0x77: {  	p0 =	sne.s32 s0, $0x170;
	s13 =	smov.u32 s0;
	s0 =	sadd.s32 $0x10, s0;
	v6 =	vld [tilespmem:s29+$0x0]  }
0x78: {  	_ =	sdelay $0x3  }
0x79: {  	vm3 =	vlt.f32 v6, $0.0e+00;
	vm4 =	vgt.f32 v6, $0.0e+00  }
0x7a: {  	vm3 =	vmor vm4, vm3  }
0x7b: {  	v6 =	vsel vm3, $0xFFFFFFFF, v2;
	v7 =	vsel vm3, $0x1, v2  }
0x7c: {  	(xrf0) =	vadd.scan.msk.s32 $0xffff, v7;
	_ =	sdelay $0x3  }
.Ltmp2:
0x7d: {  	(pc) =	sbr.rel @p0 .LBB2_6-.Ltmp2, $4  }
0x7e: {  	v8 =	vadd.s32 v0, v5  }
0x7f: {  	s13 =	sor.u32 s4, s13;
	v6 =	vadd.s32 v6, v8;
	v7, _, _ =	vpop (xrf0)  }
0x80: {  	v8 =	vor.u32 s13, v1;
	v9 =	vadd.s32 v7, v6;
	v6 =	vperm.xlane v7, v4  }
0x81: {  	[tilespmem:s30+$0x0] =	vst v8;
	v7 =	vsel vm3, v9, v3  }
0x82: {  	[tilespmem:s31+$0x0] =	vst v7;
	s29 =	simm.s32 $0x180  }
0x83: {  	v7 =	vld [tilespmem:s29+$0x0];
	_ =	sdelay $0x4  }
0x84: {  	vm3 =	vlt.f32 v7, $0.0e+00;
	vm4 =	vgt.f32 v7, $0.0e+00  }
0x85: {  	vm3 =	vmor vm4, vm3  }
0x86: {  	v7 =	vsel vm3, $0x1, v2  }
0x87: {  	(xrf0) =	vadd.scan.msk.s32 $0xffff, v7;
	_ =	sdelay $0x1  }
0x88: {  	v5 =	vadd.s32 v5, v6  }
0x89: {  	v7 =	vadd.s32 v0, v5;
	_ =	sdelay $0x1  }
0x8a: {  	v6 =	vsel vm3, $0xFFFFFFFF, v2  }
0x8b: {  	s0 =	sor.u32 s4, s29;
	v6 =	vadd.s32 v6, v7;
	v7, _, _ =	vpop (xrf0)  }
0x8c: {  	s30 =	simm.s32 $0x380;
	v8 =	vor.u32 s0, v1;
	v9 =	vadd.s32 v7, v6;
	v6 =	vperm.xlane v7, v4  }
0x8d: {  	s31 =	simm.s32 $0x580;
	s0 =	simm.s32 $0x190;
	[tilespmem:s30+$0x0] =	vst v8;
	v7 =	vsel vm3, v9, v3  }
.LBB2_8:
0x8e: {  	[tilespmem:s31+$0x0] =	vst v7;
	v5 =	vadd.s32 v5, v6;
	s29 =	sadd.s32 $0x10, s29;
	s30 =	sadd.s32 $0x10, s30;
	s31 =	sadd.s32 $0x10, s31  }
0x8f: {  	p0 =	sne.s32 s0, $0x1F0;
	s13 =	smov.u32 s0;
	s0 =	sadd.s32 $0x10, s0;
	v6 =	vld [tilespmem:s29+$0x0]  }
0x90: {  	_ =	sdelay $0x3  }
0x91: {  	vm3 =	vlt.f32 v6, $0.0e+00;
	vm4 =	vgt.f32 v6, $0.0e+00  }
0x92: {  	vm3 =	vmor vm4, vm3  }
0x93: {  	v6 =	vsel vm3, $0xFFFFFFFF, v2;
	v7 =	vsel vm3, $0x1, v2  }
0x94: {  	(xrf0) =	vadd.scan.msk.s32 $0xffff, v7;
	_ =	sdelay $0x3  }
.Ltmp3:
0x95: {  	(pc) =	sbr.rel @p0 .LBB2_8-.Ltmp3, $4  }
0x96: {  	v8 =	vadd.s32 v0, v5  }
0x97: {  	s13 =	sor.u32 s4, s13;
	v6 =	vadd.s32 v6, v8;
	v7, _, _ =	vpop (xrf0)  }
0x98: {  	v8 =	vor.u32 s13, v1;
	v9 =	vadd.s32 v7, v6;
	v6 =	vperm.xlane v7, v4  }
0x99: {  	[tilespmem:s30+$0x0] =	vst v8;
	v7 =	vsel vm3, v9, v3  }
0x9a: {  	[tilespmem:s31+$0x0] =	vst v7;
	v5 =	vadd.s32 v5, v6  }
0x9b: {  	[tilespmem:$0x800] =	vst v5  }
0x9c: {  	[spmem:s7] =	stream.linear.scatter [tilespmem:s16], [sflag:$0x2], $0x80, $0x38;
	[tilespmem:$0xA98] =	vst v63  }
0x9d: {  	_ =	swait.ge [sflag:s14], $0x80  }
0x9e: {  	[sflag:s14] =	ssyncset.done $0x0  }
0x9f: {  	[sflag:s14] =	ssyncadd.s32 $0xFFFFFF80  }
0xa0: {  	[bflag:$0x0] =	sbarrier.arrive $0xFFFF  }
0xa1: {  	[tilespmem:s16], [sflag:$0x2] =	stream.linear.gather [spmem:s8], $0x80, $0x38;
	[tilespmem:$0xA98] =	vst v63  }
0xa2: {  	_ =	swait.ge [sflag:s14], $0x80  }
0xa3: {  	[sflag:s14] =	ssyncset.done $0x0  }
0xa4: {  	[sflag:s14] =	ssyncadd.s32 $0xFFFFFF80  }
0xa5: {  	v5 =	vld [tilespmem:$0x800];
	[tilespmem:s16], [sflag:$0x2] =	stream.linear.gather [spmem:s9], $0x80, $0x38  }
0xa6: {  	_ =	swait.ge [sflag:s14], $0x80  }
0xa7: {  	[sflag:s14] =	ssyncset.done $0x0  }
0xa8: {  	[sflag:s14] =	ssyncadd.s32 $0xFFFFFF80  }
0xa9: {  	v6 =	vld [tilespmem:$0x800];
	[tilespmem:s16], [sflag:$0x2] =	stream.linear.gather [spmem:s10], $0x80, $0x38  }
0xaa: {  	_ =	swait.ge [sflag:s14], $0x80  }
0xab: {  	[sflag:s14] =	ssyncset.done $0x0  }
0xac: {  	[sflag:s14] =	ssyncadd.s32 $0xFFFFFF80  }
0xad: {  	v7 =	vld [tilespmem:$0x800]  }
0xae: {  	v8 =	vld [tilespmem:$0x400]  }
0xaf: {  	v9 =	vld [tilespmem:$0x410]  }
0xb0: {  	v10 =	vld [tilespmem:$0x420]  }
0xb1: {  	v5 =	vsel vm2, $0x0, v5;
	v11 =	vld [tilespmem:$0x430];
	v6 =	vnsel vm1, $0x0, v6  }
0xb2: {  	v5 =	vadd.s32 v5, v6;
	v6 =	vnsel vm0, $0x0, v7;
	v7 =	vld [tilespmem:$0x440]  }
0xb3: {  	vm3 =	vlt.s32 v8, $0x2000;
	v5 =	vadd.s32 v6, v5;
	v6 =	vld [tilespmem:$0x450]  }
0xb4: {  	v13 =	vld [tilespmem:$0x460];
	v12 =	vnsel vm3, $0x0, v5;
	vm3 =	vlt.s32 v9, $0x2000  }
0xb5: {  	v14 =	vld [tilespmem:$0x470];
	v8 =	vadd.s32 v8, v12;
	v32 =	vnsel vm3, $0x0, v5;
	vm3 =	vlt.s32 v10, $0x2000  }
0xb6: {  	[tilespmem:$0x400] =	vst v8;
	v33 =	vadd.s32 v9, v32;
	v34 =	vnsel vm3, $0x0, v5;
	vm3 =	vlt.s32 v11, $0x2000  }
0xb7: {  	[tilespmem:$0x410] =	vst v33;
	v35 =	vadd.s32 v10, v34;
	v36 =	vnsel vm3, $0x0, v5;
	vm3 =	vlt.s32 v7, $0x2000  }
0xb8: {  	[tilespmem:$0x420] =	vst v35;
	v37 =	vadd.s32 v11, v36;
	v38 =	vnsel vm3, $0x0, v5;
	vm3 =	vlt.s32 v6, $0x2000  }
0xb9: {  	[tilespmem:$0x430] =	vst v37;
	v7 =	vadd.s32 v7, v38;
	v39 =	vnsel vm3, $0x0, v5;
	vm3 =	vlt.s32 v13, $0x2000  }
0xba: {  	[tilespmem:$0x440] =	vst v7;
	v6 =	vadd.s32 v6, v39;
	v7 =	vnsel vm3, $0x0, v5;
	vm3 =	vlt.s32 v14, $0x2000  }
0xbb: {  	[tilespmem:$0x450] =	vst v6;
	v6 =	vadd.s32 v13, v7;
	v7 =	vnsel vm3, $0x0, v5  }
0xbc: {  	[tilespmem:$0x460] =	vst v6;
	v6 =	vadd.s32 v14, v7  }
0xbd: {  	[tilespmem:$0x470] =	vst v6  }
0xbe: {  	[spmem:s2] =	stream.indirect.scatter [tilespmem:s19], [sflag:$0x2], $0x1, s18, s17, $0xb8;
	[tilespmem:$0xA98] =	vst v63  }
0xbf: {  	_ =	swait.ge [sflag:s14], $0x80  }
0xc0: {  	[sflag:s14] =	ssyncset.done $0x0  }
0xc1: {  	[sflag:s14] =	ssyncadd.s32 $0xFFFFFF80  }
0xc2: {  	v6 =	vld [tilespmem:$0x480]  }
0xc3: {  	v7 =	vld [tilespmem:$0x490]  }
0xc4: {  	v40 =	vld [tilespmem:$0x4A0]  }
0xc5: {  	v41 =	vld [tilespmem:$0x4B0]  }
0xc6: {  	v42 =	vld [tilespmem:$0x4C0]  }
0xc7: {  	v43 =	vld [tilespmem:$0x4D0];
	vm3 =	vlt.s32 v6, $0x2000  }
0xc8: {  	v45 =	vld [tilespmem:$0x4E0];
	v44 =	vnsel vm3, $0x0, v5;
	vm3 =	vlt.s32 v7, $0x2000  }
0xc9: {  	v47 =	vld [tilespmem:$0x4F0];
	v6 =	vadd.s32 v6, v44;
	v46 =	vnsel vm3, $0x0, v5;
	vm3 =	vlt.s32 v40, $0x2000  }
0xca: {  	[tilespmem:$0x480] =	vst v6;
	v6 =	vadd.s32 v7, v46;
	v7 =	vnsel vm3, $0x0, v5;
	vm3 =	vlt.s32 v41, $0x2000  }
0xcb: {  	[tilespmem:$0x490] =	vst v6;
	v6 =	vadd.s32 v40, v7;
	v7 =	vnsel vm3, $0x0, v5;
	vm3 =	vlt.s32 v42, $0x2000  }
0xcc: {  	[tilespmem:$0x4A0] =	vst v6;
	v6 =	vadd.s32 v41, v7;
	v7 =	vnsel vm3, $0x0, v5;
	vm3 =	vlt.s32 v43, $0x2000  }
0xcd: {  	[tilespmem:$0x4B0] =	vst v6;
	v6 =	vadd.s32 v42, v7;
	v7 =	vnsel vm3, $0x0, v5;
	vm3 =	vlt.s32 v45, $0x2000  }
0xce: {  	[tilespmem:$0x4C0] =	vst v6;
	v6 =	vadd.s32 v43, v7;
	v7 =	vnsel vm3, $0x0, v5;
	vm3 =	vlt.s32 v47, $0x2000  }
0xcf: {  	[tilespmem:$0x4D0] =	vst v6;
	v6 =	vadd.s32 v45, v7;
	v7 =	vnsel vm3, $0x0, v5  }
0xd0: {  	[tilespmem:$0x4E0] =	vst v6;
	v6 =	vadd.s32 v47, v7  }
0xd1: {  	[tilespmem:$0x4F0] =	vst v6  }
0xd2: {  	[spmem:s2] =	stream.indirect.scatter [tilespmem:s21], [sflag:$0x2], $0x1, s20, s17, $0xb8;
	[tilespmem:$0xA98] =	vst v63  }
0xd3: {  	_ =	swait.ge [sflag:s14], $0x80  }
0xd4: {  	[sflag:s14] =	ssyncset.done $0x0  }
0xd5: {  	[sflag:s14] =	ssyncadd.s32 $0xFFFFFF80  }
0xd6: {  	v6 =	vld [tilespmem:$0x500]  }
0xd7: {  	v7 =	vld [tilespmem:$0x510]  }
0xd8: {  	v48 =	vld [tilespmem:$0x520]  }
0xd9: {  	v49 =	vld [tilespmem:$0x530]  }
0xda: {  	v50 =	vld [tilespmem:$0x540]  }
0xdb: {  	v51 =	vld [tilespmem:$0x550];
	vm3 =	vlt.s32 v6, $0x2000  }
0xdc: {  	v53 =	vld [tilespmem:$0x560];
	v52 =	vnsel vm3, $0x0, v5;
	vm3 =	vlt.s32 v7, $0x2000  }
0xdd: {  	v55 =	vld [tilespmem:$0x570];
	v6 =	vadd.s32 v6, v52;
	v54 =	vnsel vm3, $0x0, v5;
	vm3 =	vlt.s32 v48, $0x2000  }
0xde: {  	[tilespmem:$0x500] =	vst v6;
	v6 =	vadd.s32 v7, v54;
	v7 =	vnsel vm3, $0x0, v5;
	vm3 =	vlt.s32 v49, $0x2000  }
0xdf: {  	[tilespmem:$0x510] =	vst v6;
	v6 =	vadd.s32 v48, v7;
	v7 =	vnsel vm3, $0x0, v5;
	vm3 =	vlt.s32 v50, $0x2000  }
0xe0: {  	[tilespmem:$0x520] =	vst v6;
	v6 =	vadd.s32 v49, v7;
	v7 =	vnsel vm3, $0x0, v5;
	vm3 =	vlt.s32 v51, $0x2000  }
0xe1: {  	[tilespmem:$0x530] =	vst v6;
	v6 =	vadd.s32 v50, v7;
	v7 =	vnsel vm3, $0x0, v5;
	vm3 =	vlt.s32 v53, $0x2000  }
0xe2: {  	[tilespmem:$0x540] =	vst v6;
	v6 =	vadd.s32 v51, v7;
	v7 =	vnsel vm3, $0x0, v5;
	vm3 =	vlt.s32 v55, $0x2000  }
0xe3: {  	[tilespmem:$0x550] =	vst v6;
	v6 =	vadd.s32 v53, v7;
	v7 =	vnsel vm3, $0x0, v5  }
0xe4: {  	[tilespmem:$0x560] =	vst v6;
	v6 =	vadd.s32 v55, v7  }
0xe5: {  	[tilespmem:$0x570] =	vst v6  }
0xe6: {  	[spmem:s2] =	stream.indirect.scatter [tilespmem:s23], [sflag:$0x2], $0x1, s22, s17, $0xb8;
	[tilespmem:$0xA98] =	vst v63  }
0xe7: {  	_ =	swait.ge [sflag:s14], $0x80  }
0xe8: {  	[sflag:s14] =	ssyncset.done $0x0  }
0xe9: {  	[sflag:s14] =	ssyncadd.s32 $0xFFFFFF80  }
0xea: {  	v6 =	vld [tilespmem:$0x580]  }
0xeb: {  	v7 =	vld [tilespmem:$0x590]  }
0xec: {  	v56 =	vld [tilespmem:$0x5A0]  }
0xed: {  	v57 =	vld [tilespmem:$0x5B0]  }
0xee: {  	v58 =	vld [tilespmem:$0x5C0]  }
0xef: {  	v59 =	vld [tilespmem:$0x5D0];
	vm3 =	vlt.s32 v6, $0x2000  }
0xf0: {  	v61 =	vld [tilespmem:$0x5E0];
	v60 =	vnsel vm3, $0x0, v5;
	vm3 =	vlt.s32 v7, $0x2000  }
0xf1: {  	v63 =	vld [tilespmem:$0x5F0];
	v6 =	vadd.s32 v6, v60;
	v62 =	vnsel vm3, $0x0, v5;
	vm3 =	vlt.s32 v56, $0x2000  }
0xf2: {  	[tilespmem:$0x580] =	vst v6;
	v6 =	vadd.s32 v7, v62;
	v7 =	vnsel vm3, $0x0, v5;
	vm3 =	vlt.s32 v57, $0x2000  }
0xf3: {  	[tilespmem:$0x590] =	vst v6;
	v6 =	vadd.s32 v56, v7;
	v7 =	vnsel vm3, $0x0, v5;
	vm3 =	vlt.s32 v58, $0x2000  }
0xf4: {  	[tilespmem:$0x5A0] =	vst v6;
	v6 =	vadd.s32 v57, v7;
	v7 =	vnsel vm3, $0x0, v5;
	vm3 =	vlt.s32 v59, $0x2000  }
0xf5: {  	[tilespmem:$0x5B0] =	vst v6;
	v6 =	vadd.s32 v58, v7;
	v7 =	vnsel vm3, $0x0, v5;
	vm3 =	vlt.s32 v61, $0x2000  }
0xf6: {  	[tilespmem:$0x5C0] =	vst v6;
	v6 =	vadd.s32 v59, v7;
	v7 =	vnsel vm3, $0x0, v5;
	vm3 =	vlt.s32 v63, $0x2000  }
0xf7: {  	[tilespmem:$0x5D0] =	vst v6;
	v6 =	vadd.s32 v61, v7;
	v5 =	vnsel vm3, $0x0, v5  }
0xf8: {  	[tilespmem:$0x5E0] =	vst v6;
	v5 =	vadd.s32 v63, v5  }
0xf9: {  	[tilespmem:$0x5F0] =	vst v5  }
0xfa: {  	[spmem:s2] =	stream.indirect.scatter [tilespmem:s25], [sflag:$0x2], $0x1, s24, s17, $0xb8;
	[tilespmem:$0xA98] =	vst v63  }
0xfb: {  	_ =	swait.ge [sflag:s14], $0x80  }
0xfc: {  	s0 =	sshll.u32 s1, $0x6;
	s28 =	sadd.s32 $0x1, s28;
	[sflag:s14] =	ssyncset.done $0x0  }
0xfd: {  	s13 =	sshrl.u32 s6, $0x3;
	p0 =	sne.s32 s28, s12;
	[sflag:s14] =	ssyncadd.s32 $0xFFFFFF80  }
.Ltmp4:
0xfe: {  	s0 =	sor.u32 $0x1C02, s0;
	[bflag:$0x0] =	sbarrier.arrive $0xFFFF;
	(pc) =	sbr.rel @p0 .LBB2_1-.Ltmp4, $4  }
0xff: {  	[hbm:s11@s17], [sflag:s0] =	dma.strided [spmem:s13@s26], $0x40, s15, $0x10   }
0x100: {  	_ =	swait.ge [sflag:s14], $0x40  }
0x101: {  	[sflag:s14] =	ssyncset.done $0x0  }
0x102: {  	[sflag:s14] =	ssyncadd.s32 $0xFFFFFFC0  }
0x103: {  	_ =	sfence.sel $0x180000  }
0x104: {  	[bflag:$0x0] =	sbarrier.arrive $0xFFFF  }
0x105: {  	_ =	strace $0x90000047  }
0x106: {  	[bflag:$0x2] =	sbarrier.arrive $0xFFFF  }
0x107: {  	p0 =	sne.s32 s1, $0x0;
	s0 =	rddreg [dreg:$0x4]  }
0x108: {  	s0 =	sadd.s32 @!p0 $0x100000, s0  }
0x109: {  	[sflag:s0] =	ssyncadd.tile.s32 @!p0 $0x1;
	_ =	shalt  }
.Lfunc_end2:
_tile_overlayer_lowered:
.L_overlay_start_2:
0x10a: {  	(tag) =	ssettag $0x2  }
0x10b: {  	s0 =	rddreg [dreg:$0x0];
	s2 =	stileid.u32  }
0x10c: {  	s1 =	rddreg [dreg:$0x1];
	p0 =	sne.s32 s2, $0x0  }
0x10d: {  	s3 =	rddreg [dreg:$0x2];
	[bflag:$0x3] =	sbarrier.arrive $0xFFFF;
	s2 =	simm.s32 @!p0 $0x1C02  }
0x10e: {  	[timem:s3], [sflag:s2] =	dma.local @!p0 [hbm:s0], s1  }
0x10f: {  	s0 =	simm.s32 @!p0 $0x2  }
0x110: {  	_ =	swait.ge @!p0 [sflag:s0], s1  }
0x111: {  	s1 =	ssub.s32 @!p0 $0x0, s1;
	[sflag:s0] =	ssyncset.done @!p0 $0x0  }
0x112: {  	[sflag:s0] =	ssyncadd.s32 @!p0 s1  }
0x113: {  	[bflag:$0x3] =	sbarrier.arrive $0xFFFF  }
0x114: {  	_ =	shalt  }

</sc_bundles>
